<compile_context>
chip_gen: v7x
topology: tpu7x:2x2x1
jax: 0.10.2.dev20260603
libtpu: 0.0.44.dev20260713+nightly
codegen_flags: <defaults>
</compile_context>

<pallas_src>
import functools

import jax
import jax.numpy as jnp
from jax import lax
from jax.experimental import pallas as pl
from jax.experimental.pallas import tpu as pltpu
from jax.experimental.pallas import tpu_sc as plsc

_HID = 128
_C = 128
_NW = 32
_NBUF = 3
_BB = 16


def _sc_gather(tokens_flat, word_emb):
  N = tokens_flat.shape[0]
  per_w = N // _C // _NW
  npw = per_w * _C

  mesh = plsc.VectorSubcoreMesh(core_axis_name="c", subcore_axis_name="s")

  @functools.partial(
      pl.kernel,
      out_type=jax.ShapeDtypeStruct((N, _HID), jnp.float32),
      mesh=mesh,
      scratch_types=[
          pltpu.VMEM((npw,), jnp.int32),
          pltpu.VMEM((_NBUF, _C, _HID), jnp.float32),
          pltpu.SemaphoreType.DMA((_NBUF,)),
          pltpu.SemaphoreType.DMA((_NBUF,)),
      ],
  )
  def body(tok_hbm, word_hbm, out_hbm, tok_v, rows_v, in_sem, out_sem):
    wid = lax.axis_index("s") * 2 + lax.axis_index("c")
    w0 = wid * npw
    pltpu.sync_copy(tok_hbm.at[pl.ds(w0, npw)], tok_v)

    def issue(c):
      b = lax.rem(c, _NBUF)
      pltpu.async_copy(word_hbm.at[tok_v.at[pl.ds(c * _C, _C)]], rows_v.at[b],
                       in_sem.at[b])

    issue(0)
    issue(1)

    def loop_body(i, carry):
      b = lax.rem(i, _NBUF)
      pltpu.make_async_copy(word_hbm.at[pl.ds(0, _C)], rows_v.at[b],
                            in_sem.at[b]).wait()
      pltpu.async_copy(rows_v.at[b], out_hbm.at[pl.ds(w0 + i * _C, _C)],
                       out_sem.at[b])

      @pl.when(i + 2 < per_w)
      def _():
        b2 = lax.rem(i + 2, _NBUF)

        @pl.when(i >= 1)
        def _():
          pltpu.make_async_copy(rows_v.at[b2], out_hbm.at[pl.ds(0, _C)],
                                out_sem.at[b2]).wait()

        issue(i + 2)

      return carry

    lax.fori_loop(0, per_w, loop_body, 0)
    for k in range(_NBUF):
      pltpu.make_async_copy(rows_v.at[k], out_hbm.at[pl.ds(0, _C)],
                            out_sem.at[k]).wait()

  return body(tokens_flat, word_emb)


def _tc_ln_body(g_ref, s_ref, p_ref, t_ref, gm_ref, bt_ref, o_ref):
  x = g_ref[...]
  seg = s_ref[...]
  t0 = t_ref[0][None, None, :]
  t1 = t_ref[1][None, None, :]
  seg_b = lax.broadcast_in_dim(seg.astype(jnp.float32), x.shape, (0, 1))
  x = x + p_ref[...][None, :, :] + (t0 + seg_b * (t1 - t0))
  mean = jnp.mean(x, axis=-1, keepdims=True)
  var = jnp.mean(x * x, axis=-1, keepdims=True) - mean * mean
  y = lax.rsqrt(var + 1e-12)
  o_ref[...] = (x - mean) * y * gm_ref[...] + bt_ref[...]


def _tc_ln(gathered, segments, pos_emb_l, type_emb, gamma, beta):
  B, L = segments.shape
  g3 = gathered.reshape(B, L, _HID)
  grid = (B // _BB,)
  return pl.pallas_call(
      _tc_ln_body,
      grid=grid,
      in_specs=[
          pl.BlockSpec((_BB, L, _HID), lambda i: (i, 0, 0)),
          pl.BlockSpec((_BB, L), lambda i: (i, 0)),
          pl.BlockSpec((L, _HID), lambda i: (0, 0)),
          pl.BlockSpec((2, _HID), lambda i: (0, 0)),
          pl.BlockSpec((_HID,), lambda i: (0,)),
          pl.BlockSpec((_HID,), lambda i: (0,)),
      ],
      out_specs=pl.BlockSpec((_BB, L, _HID), lambda i: (i, 0, 0)),
      out_shape=jax.ShapeDtypeStruct((B, L, _HID), jnp.float32),
  )(g3, segments, pos_emb_l, type_emb, gamma, beta)


def kernel(tokens, segments, word_emb, pos_emb, type_emb, gamma, beta):
  B, L = tokens.shape
  tok_flat = tokens.astype(jnp.int32).reshape(-1)
  seg = segments.astype(jnp.int32)
  pos_l = pos_emb[:L]
  half = (B // 2) * L
  g0 = _sc_gather(tok_flat[:half], word_emb)
  g1 = _sc_gather(tok_flat[half:], word_emb)
  y0 = _tc_ln(g0, seg[: B // 2], pos_l, type_emb, gamma, beta)
  y1 = _tc_ln(g1, seg[B // 2 :], pos_l, type_emb, gamma, beta)
  return jnp.concatenate([y0, y1], axis=0)

# --- scband reference (transcript-rebuilt; emitter-appended) ---
"""Pipeline reference for scband-bert-embeddings-39109972197734 (READ-ONLY COPY).

The authoritative reference and input builder live on the scoring server;
editing this copy changes nothing except your own understanding.
"""

import jax, jax.numpy as jnp
import numpy as np

VOCAB = 100000
HID = 128
MAX_LEN = 512
B = 1024
L = 200

def setup_inputs(seed: int = 0) -> dict:
    key = jax.random.key(seed)
    k1, k2, k3, k4, k5 = jax.random.split(key, 5)
    tokens = jax.random.randint(k1, (B, L), 0, VOCAB, dtype=jnp.int64 if jax.config.jax_enable_x64 else jnp.int32)
    segments = jax.random.randint(k2, (B, L), 0, 2, dtype=jnp.int64 if jax.config.jax_enable_x64 else jnp.int32)
    word_emb = jax.random.normal(k3, (VOCAB, HID), dtype=jnp.float32)
    pos_emb = jax.random.normal(k4, (MAX_LEN, HID), dtype=jnp.float32)
    type_emb = jax.random.normal(k5, (2, HID), dtype=jnp.float32)
    gamma = jnp.ones((HID,), dtype=jnp.float32)
    beta = jnp.zeros((HID,), dtype=jnp.float32)
    return {"tokens": tokens, "segments": segments, "word_emb": word_emb, "pos_emb": pos_emb, "type_emb": type_emb, "gamma": gamma, "beta": beta}

def reference(tokens, segments, word_emb, pos_emb, type_emb, gamma, beta):
    # embedding lookups (gathers)
    X = jnp.take(word_emb, tokens, axis=0) + jnp.take(type_emb, segments, axis=0)
    X = X + pos_emb[:X.shape[1], :]
    # LayerNorm with eps=1e-12 (biased variance, like torch.nn.LayerNorm)
    mean = jnp.mean(X, axis=-1, keepdims=True)
    var = jnp.mean((X - mean) ** 2, axis=-1, keepdims=True)
    X = (X - mean) / jnp.sqrt(var + 1e-12)
    X = X * gamma + beta
    # dropout is identity in eval mode
    return X

if __name__ == "__main__":
    import jax
    _d = setup_inputs()
    print(jax.jit(kernel)(*tuple(_d.values())))

</pallas_src>

<mosaic_0001>
#map = affine_map<(d0, d1) -> (0)>
#map1 = affine_map<(d0, d1) -> (0, 0)>
module attributes {stable_mosaic.version = 14 : i64} {
  func.func @body(%arg0: i32, %arg1: i32, %arg2: memref<102400xi32, #tpu.memory_space<hbm>>, %arg3: memref<100000x128xf32, #tpu.memory_space<hbm>>, %arg4: memref<102400x128xf32, #tpu.memory_space<hbm>>, %arg5: memref<3200xi32, #tpu.memory_space<vmem>>, %arg6: memref<3x128x128xf32, #tpu.memory_space<vmem>>, %arg7: memref<3x!tpu.dma_semaphore, #tpu.memory_space<semaphore_mem>>, %arg8: memref<3x!tpu.dma_semaphore, #tpu.memory_space<semaphore_mem>>) attributes {dimension_semantics = [#tpu.dimension_semantics<core_parallel>, #tpu.dimension_semantics<subcore_parallel>], iteration_bounds = array<i64: 2, 16>, scalar_prefetch = 0 : i64, scratch_operands = 4 : i64, tpu.core_type = #tpu.core_type<sc_vector_subcore>, window_params = [{transform_indices = #map}, {transform_indices = #map1}, {transform_indices = #map1}]} {
    %mul3A = arith.constant 2 : i32
    %mul3A_0 = arith.muli %arg1, %mul3A : i32
    %add3A = arith.addi %mul3A_0, %arg0 : i32
    %mul3A_1 = arith.constant 3200 : i32
    %mul3A_2 = arith.muli %add3A, %mul3A_1 : i32
    "tpu.region"() ({
      %run_scoped3A = tpu.sem_alloc : memref<!tpu.dma_semaphore, #tpu.memory_space<semaphore_mem>>
      %dma_start3A_87 = tpu.memref_slice %arg2[%mul3A_2] : memref<102400xi32, #tpu.memory_space<hbm>> -> memref<3200xi32, #tpu.memory_space<hbm>>
      %dma_start3A_88 = tpu.memref_slice %arg2[%mul3A_2] : memref<102400xi32, #tpu.memory_space<hbm>> -> memref<3200xi32, #tpu.memory_space<hbm>>
      tpu.enqueue_dma source(%dma_start3A_88 : memref<3200xi32, #tpu.memory_space<hbm>>) target(%arg5 : memref<3200xi32, #tpu.memory_space<vmem>>) target_semaphore(%run_scoped3A : memref<!tpu.dma_semaphore, #tpu.memory_space<semaphore_mem>>)
      %dma_wait3A_89 = tpu.memref_slice %arg2[%mul3A_2] : memref<102400xi32, #tpu.memory_space<hbm>> -> memref<3200xi32, #tpu.memory_space<hbm>>
      %dma_wait3A_90 = tpu.memref_slice %arg2[%mul3A_2] : memref<102400xi32, #tpu.memory_space<hbm>> -> memref<3200xi32, #tpu.memory_space<hbm>>
      tpu.wait_dma2 semaphore(%run_scoped3A : memref<!tpu.dma_semaphore, #tpu.memory_space<semaphore_mem>>) src(%dma_wait3A_90 : memref<3200xi32, #tpu.memory_space<hbm>>) dst(%arg5 : memref<3200xi32, #tpu.memory_space<vmem>>)
      tpu.yield
    }) : () -> ()
    %rem3A = arith.constant 0 : i32
    %rem3A_3 = arith.constant 3 : i32
    %rem3A_4 = arith.remsi %rem3A, %rem3A_3 : i32
    %dma_start3A = arith.constant 0 : i32
    %dma_start3A_5 = arith.constant 0 : i32
    %dma_start3A_6 = tpu.memref_slice %arg6[%rem3A_4, %dma_start3A, %dma_start3A_5] : memref<3x128x128xf32, #tpu.memory_space<vmem>> -> memref<1x128x128xf32, #tpu.memory_space<vmem>>
    %dma_start3A_7 = tpu.memref_squeeze %dma_start3A_6 : memref<1x128x128xf32, #tpu.memory_space<vmem>> -> memref<128x128xf32, #tpu.memory_space<vmem>>
    %dma_start3A_8 = arith.constant 0 : i32
    %dma_start3A_9 = tpu.memref_slice %arg5[%dma_start3A_8] : memref<3200xi32, #tpu.memory_space<vmem>> -> memref<128xi32, #tpu.memory_space<vmem>>
    %dma_start3A_10 = arith.constant 0 : i32
    %dma_start3A_11 = arith.constant 0 : i32
    %dma_start3A_12 = tpu.memref_slice %arg3[%dma_start3A_10, %dma_start3A_11] : memref<100000x128xf32, #tpu.memory_space<hbm>> -> memref<100000x128xf32, #tpu.memory_space<hbm>>
    %dma_start3A_13 = tpu.memref_slice %arg7[%rem3A_4] : memref<3x!tpu.dma_semaphore, #tpu.memory_space<semaphore_mem>> -> memref<1x!tpu.dma_semaphore, #tpu.memory_space<semaphore_mem>>
    %dma_start3A_14 = tpu.memref_squeeze %dma_start3A_13 : memref<1x!tpu.dma_semaphore, #tpu.memory_space<semaphore_mem>> -> memref<!tpu.dma_semaphore, #tpu.memory_space<semaphore_mem>>
    tpu.enqueue_indirect_dma source(%dma_start3A_12 : memref<100000x128xf32, #tpu.memory_space<hbm>>) target(%dma_start3A_7 : memref<128x128xf32, #tpu.memory_space<vmem>>) offsets(%dma_start3A_9 : memref<128xi32, #tpu.memory_space<vmem>>) semaphore(%dma_start3A_14 : memref<!tpu.dma_semaphore, #tpu.memory_space<semaphore_mem>>)
    %rem3A_15 = arith.constant 1 : i32
    %rem3A_16 = arith.constant 3 : i32
    %rem3A_17 = arith.remsi %rem3A_15, %rem3A_16 : i32
    %dma_start3A_18 = arith.constant 0 : i32
    %dma_start3A_19 = arith.constant 0 : i32
    %dma_start3A_20 = tpu.memref_slice %arg6[%rem3A_17, %dma_start3A_18, %dma_start3A_19] : memref<3x128x128xf32, #tpu.memory_space<vmem>> -> memref<1x128x128xf32, #tpu.memory_space<vmem>>
    %dma_start3A_21 = tpu.memref_squeeze %dma_start3A_20 : memref<1x128x128xf32, #tpu.memory_space<vmem>> -> memref<128x128xf32, #tpu.memory_space<vmem>>
    %dma_start3A_22 = arith.constant 128 : i32
    %dma_start3A_23 = tpu.memref_slice %arg5[%dma_start3A_22] : memref<3200xi32, #tpu.memory_space<vmem>> -> memref<128xi32, #tpu.memory_space<vmem>>
    %dma_start3A_24 = arith.constant 0 : i32
    %dma_start3A_25 = arith.constant 0 : i32
    %dma_start3A_26 = tpu.memref_slice %arg3[%dma_start3A_24, %dma_start3A_25] : memref<100000x128xf32, #tpu.memory_space<hbm>> -> memref<100000x128xf32, #tpu.memory_space<hbm>>
    %dma_start3A_27 = tpu.memref_slice %arg7[%rem3A_17] : memref<3x!tpu.dma_semaphore, #tpu.memory_space<semaphore_mem>> -> memref<1x!tpu.dma_semaphore, #tpu.memory_space<semaphore_mem>>
    %dma_start3A_28 = tpu.memref_squeeze %dma_start3A_27 : memref<1x!tpu.dma_semaphore, #tpu.memory_space<semaphore_mem>> -> memref<!tpu.dma_semaphore, #tpu.memory_space<semaphore_mem>>
    tpu.enqueue_indirect_dma source(%dma_start3A_26 : memref<100000x128xf32, #tpu.memory_space<hbm>>) target(%dma_start3A_21 : memref<128x128xf32, #tpu.memory_space<vmem>>) offsets(%dma_start3A_23 : memref<128xi32, #tpu.memory_space<vmem>>) semaphore(%dma_start3A_28 : memref<!tpu.dma_semaphore, #tpu.memory_space<semaphore_mem>>)
    %scan3A = arith.constant 0 : i32
    %scan3A_29 = arith.constant 0 : i32
    %scan3A_30 = arith.constant 25 : i32
    %scan3A_31 = arith.addi %scan3A_29, %scan3A_30 : i32
    %scan3A_32 = arith.constant 1 : i32
    scf.for %scan3A_87 = %scan3A_29 to %scan3A_31 step %scan3A_32  : i32 {
      %rem3A_88 = arith.constant 3 : i32
      %rem3A_89 = arith.remsi %scan3A_87, %rem3A_88 : i32
      %dma_wait3A_90 = arith.constant 0 : i32
      %dma_wait3A_91 = arith.constant 0 : i32
      %dma_wait3A_92 = tpu.memref_slice %arg6[%rem3A_89, %dma_wait3A_90, %dma_wait3A_91] : memref<3x128x128xf32, #tpu.memory_space<vmem>> -> memref<1x128x128xf32, #tpu.memory_space<vmem>>
      %dma_wait3A_93 = tpu.memref_squeeze %dma_wait3A_92 : memref<1x128x128xf32, #tpu.memory_space<vmem>> -> memref<128x128xf32, #tpu.memory_space<vmem>>
      %dma_wait3A_94 = arith.constant 0 : i32
      %dma_wait3A_95 = arith.constant 0 : i32
      %dma_wait3A_96 = tpu.memref_slice %arg3[%dma_wait3A_94, %dma_wait3A_95] : memref<100000x128xf32, #tpu.memory_space<hbm>> -> memref<128x128xf32, #tpu.memory_space<hbm>>
      %dma_wait3A_97 = tpu.memref_slice %arg7[%rem3A_89] : memref<3x!tpu.dma_semaphore, #tpu.memory_space<semaphore_mem>> -> memref<1x!tpu.dma_semaphore, #tpu.memory_space<semaphore_mem>>
      %dma_wait3A_98 = tpu.memref_squeeze %dma_wait3A_97 : memref<1x!tpu.dma_semaphore, #tpu.memory_space<semaphore_mem>> -> memref<!tpu.dma_semaphore, #tpu.memory_space<semaphore_mem>>
      %dma_wait3A_99 = arith.constant 0 : i32
      %dma_wait3A_100 = arith.constant 0 : i32
      %dma_wait3A_101 = tpu.memref_slice %arg6[%rem3A_89, %dma_wait3A_99, %dma_wait3A_100] : memref<3x128x128xf32, #tpu.memory_space<vmem>> -> memref<1x128x128xf32, #tpu.memory_space<vmem>>
      %dma_wait3A_102 = tpu.memref_squeeze %dma_wait3A_101 : memref<1x128x128xf32, #tpu.memory_space<vmem>> -> memref<128x128xf32, #tpu.memory_space<vmem>>
      %dma_wait3A_103 = arith.constant 0 : i32
      %dma_wait3A_104 = arith.constant 0 : i32
      %dma_wait3A_105 = tpu.memref_slice %arg3[%dma_wait3A_103, %dma_wait3A_104] : memref<100000x128xf32, #tpu.memory_space<hbm>> -> memref<128x128xf32, #tpu.memory_space<hbm>>
      tpu.wait_dma2 semaphore(%dma_wait3A_98 : memref<!tpu.dma_semaphore, #tpu.memory_space<semaphore_mem>>) src(%dma_wait3A_105 : memref<128x128xf32, #tpu.memory_space<hbm>>) dst(%dma_wait3A_102 : memref<128x128xf32, #tpu.memory_space<vmem>>)
      %mul3A_106 = arith.constant 128 : i32
      %mul3A_107 = arith.muli %scan3A_87, %mul3A_106 : i32
      %add3A_108 = arith.addi %mul3A_2, %mul3A_107 : i32
      %dma_start3A_109 = arith.constant 0 : i32
      %dma_start3A_110 = arith.constant 0 : i32
      %dma_start3A_111 = tpu.memref_slice %arg6[%rem3A_89, %dma_start3A_109, %dma_start3A_110] : memref<3x128x128xf32, #tpu.memory_space<vmem>> -> memref<1x128x128xf32, #tpu.memory_space<vmem>>
      %dma_start3A_112 = tpu.memref_squeeze %dma_start3A_111 : memref<1x128x128xf32, #tpu.memory_space<vmem>> -> memref<128x128xf32, #tpu.memory_space<vmem>>
      %dma_start3A_113 = arith.constant 0 : i32
      %dma_start3A_114 = tpu.memref_slice %arg4[%add3A_108, %dma_start3A_113] : memref<102400x128xf32, #tpu.memory_space<hbm>> -> memref<128x128xf32, #tpu.memory_space<hbm>>
      %dma_start3A_115 = tpu.memref_slice %arg8[%rem3A_89] : memref<3x!tpu.dma_semaphore, #tpu.memory_space<semaphore_mem>> -> memref<1x!tpu.dma_semaphore, #tpu.memory_space<semaphore_mem>>
      %dma_start3A_116 = tpu.memref_squeeze %dma_start3A_115 : memref<1x!tpu.dma_semaphore, #tpu.memory_space<semaphore_mem>> -> memref<!tpu.dma_semaphore, #tpu.memory_space<semaphore_mem>>
      %dma_start3A_117 = arith.constant 0 : i32
      %dma_start3A_118 = tpu.memref_slice %arg4[%add3A_108, %dma_start3A_117] : memref<102400x128xf32, #tpu.memory_space<hbm>> -> memref<128x128xf32, #tpu.memory_space<hbm>>
      %dma_start3A_119 = arith.constant 0 : i32
      %dma_start3A_120 = arith.constant 0 : i32
      %dma_start3A_121 = tpu.memref_slice %arg6[%rem3A_89, %dma_start3A_119, %dma_start3A_120] : memref<3x128x128xf32, #tpu.memory_space<vmem>> -> memref<1x128x128xf32, #tpu.memory_space<vmem>>
      %dma_start3A_122 = tpu.memref_squeeze %dma_start3A_121 : memref<1x128x128xf32, #tpu.memory_space<vmem>> -> memref<128x128xf32, #tpu.memory_space<vmem>>
      tpu.enqueue_dma source(%dma_start3A_122 : memref<128x128xf32, #tpu.memory_space<vmem>>) target(%dma_start3A_118 : memref<128x128xf32, #tpu.memory_space<hbm>>) target_semaphore(%dma_start3A_116 : memref<!tpu.dma_semaphore, #tpu.memory_space<semaphore_mem>>)
      %add3A_123 = arith.constant 2 : i32
      %add3A_124 = arith.addi %scan3A_87, %add3A_123 : i32
      %lt3A = arith.constant 25 : i32
      %lt3A_125 = arith.cmpi slt, %add3A_124, %lt3A : i32
      %convert_element_type3A = arith.extui %lt3A_125 : i1 to i32
      %cond3A = arith.constant 0 : i32
      %cond3A_126 = arith.cmpi ne, %convert_element_type3A, %cond3A : i32
      scf.if %cond3A_126 {
        %add3A_127 = arith.constant 2 : i32
        %add3A_128 = arith.addi %scan3A_87, %add3A_127 : i32
        %rem3A_129 = arith.constant 3 : i32
        %rem3A_130 = arith.remsi %add3A_128, %rem3A_129 : i32
        %ge3A = arith.constant 1 : i32
        %ge3A_131 = arith.cmpi sge, %scan3A_87, %ge3A : i32
        %convert_element_type3A_132 = arith.extui %ge3A_131 : i1 to i32
        %cond3A_133 = arith.constant 0 : i32
        %cond3A_134 = arith.cmpi ne, %convert_element_type3A_132, %cond3A_133 : i32
        scf.if %cond3A_134 {
          %dma_wait3A_151 = arith.constant 0 : i32
          %dma_wait3A_152 = arith.constant 0 : i32
          %dma_wait3A_153 = tpu.memref_slice %arg6[%rem3A_130, %dma_wait3A_151, %dma_wait3A_152] : memref<3x128x128xf32, #tpu.memory_space<vmem>> -> memref<1x128x128xf32, #tpu.memory_space<vmem>>
          %dma_wait3A_154 = tpu.memref_squeeze %dma_wait3A_153 : memref<1x128x128xf32, #tpu.memory_space<vmem>> -> memref<128x128xf32, #tpu.memory_space<vmem>>
          %dma_wait3A_155 = arith.constant 0 : i32
          %dma_wait3A_156 = arith.constant 0 : i32
          %dma_wait3A_157 = tpu.memref_slice %arg4[%dma_wait3A_155, %dma_wait3A_156] : memref<102400x128xf32, #tpu.memory_space<hbm>> -> memref<128x128xf32, #tpu.memory_space<hbm>>
          %dma_wait3A_158 = tpu.memref_slice %arg8[%rem3A_130] : memref<3x!tpu.dma_semaphore, #tpu.memory_space<semaphore_mem>> -> memref<1x!tpu.dma_semaphore, #tpu.memory_space<semaphore_mem>>
          %dma_wait3A_159 = tpu.memref_squeeze %dma_wait3A_158 : memref<1x!tpu.dma_semaphore, #tpu.memory_space<semaphore_mem>> -> memref<!tpu.dma_semaphore, #tpu.memory_space<semaphore_mem>>
          %dma_wait3A_160 = arith.constant 0 : i32
          %dma_wait3A_161 = arith.constant 0 : i32
          %dma_wait3A_162 = tpu.memref_slice %arg4[%dma_wait3A_160, %dma_wait3A_161] : memref<102400x128xf32, #tpu.memory_space<hbm>> -> memref<128x128xf32, #tpu.memory_space<hbm>>
          %dma_wait3A_163 = arith.constant 0 : i32
          %dma_wait3A_164 = arith.constant 0 : i32
          %dma_wait3A_165 = tpu.memref_slice %arg6[%rem3A_130, %dma_wait3A_163, %dma_wait3A_164] : memref<3x128x128xf32, #tpu.memory_space<vmem>> -> memref<1x128x128xf32, #tpu.memory_space<vmem>>
          %dma_wait3A_166 = tpu.memref_squeeze %dma_wait3A_165 : memref<1x128x128xf32, #tpu.memory_space<vmem>> -> memref<128x128xf32, #tpu.memory_space<vmem>>
          tpu.wait_dma2 semaphore(%dma_wait3A_159 : memref<!tpu.dma_semaphore, #tpu.memory_space<semaphore_mem>>) src(%dma_wait3A_166 : memref<128x128xf32, #tpu.memory_space<vmem>>) dst(%dma_wait3A_162 : memref<128x128xf32, #tpu.memory_space<hbm>>)
        } else {
        }
        %add3A_135 = arith.constant 2 : i32
        %add3A_136 = arith.addi %scan3A_87, %add3A_135 : i32
        %rem3A_137 = arith.constant 3 : i32
        %rem3A_138 = arith.remsi %add3A_136, %rem3A_137 : i32
        %mul3A_139 = arith.constant 128 : i32
        %mul3A_140 = arith.muli %add3A_136, %mul3A_139 : i32
        %dma_start3A_141 = arith.constant 0 : i32
        %dma_start3A_142 = arith.constant 0 : i32
        %dma_start3A_143 = tpu.memref_slice %arg6[%rem3A_138, %dma_start3A_141, %dma_start3A_142] : memref<3x128x128xf32, #tpu.memory_space<vmem>> -> memref<1x128x128xf32, #tpu.memory_space<vmem>>
        %dma_start3A_144 = tpu.memref_squeeze %dma_start3A_143 : memref<1x128x128xf32, #tpu.memory_space<vmem>> -> memref<128x128xf32, #tpu.memory_space<vmem>>
        %dma_start3A_145 = tpu.memref_slice %arg5[%mul3A_140] : memref<3200xi32, #tpu.memory_space<vmem>> -> memref<128xi32, #tpu.memory_space<vmem>>
        %dma_start3A_146 = arith.constant 0 : i32
        %dma_start3A_147 = arith.constant 0 : i32
        %dma_start3A_148 = tpu.memref_slice %arg3[%dma_start3A_146, %dma_start3A_147] : memref<100000x128xf32, #tpu.memory_space<hbm>> -> memref<100000x128xf32, #tpu.memory_space<hbm>>
        %dma_start3A_149 = tpu.memref_slice %arg7[%rem3A_138] : memref<3x!tpu.dma_semaphore, #tpu.memory_space<semaphore_mem>> -> memref<1x!tpu.dma_semaphore, #tpu.memory_space<semaphore_mem>>
        %dma_start3A_150 = tpu.memref_squeeze %dma_start3A_149 : memref<1x!tpu.dma_semaphore, #tpu.memory_space<semaphore_mem>> -> memref<!tpu.dma_semaphore, #tpu.memory_space<semaphore_mem>>
        tpu.enqueue_indirect_dma source(%dma_start3A_148 : memref<100000x128xf32, #tpu.memory_space<hbm>>) target(%dma_start3A_144 : memref<128x128xf32, #tpu.memory_space<vmem>>) offsets(%dma_start3A_145 : memref<128xi32, #tpu.memory_space<vmem>>) semaphore(%dma_start3A_150 : memref<!tpu.dma_semaphore, #tpu.memory_space<semaphore_mem>>)
      } else {
      }
    }
    %scan3A_33 = arith.constant 25 : i32
    %dma_wait3A = arith.constant 0 : i32
    %dma_wait3A_34 = arith.constant 0 : i32
    %dma_wait3A_35 = arith.constant 0 : i32
    %dma_wait3A_36 = arith.constant 0 : i32
    %dma_wait3A_37 = tpu.memref_slice %arg6[%dma_wait3A, %dma_wait3A_35, %dma_wait3A_36] : memref<3x128x128xf32, #tpu.memory_space<vmem>> -> memref<1x128x128xf32, #tpu.memory_space<vmem>>
    %dma_wait3A_38 = tpu.memref_squeeze %dma_wait3A_37 : memref<1x128x128xf32, #tpu.memory_space<vmem>> -> memref<128x128xf32, #tpu.memory_space<vmem>>
    %dma_wait3A_39 = arith.constant 0 : i32
    %dma_wait3A_40 = arith.constant 0 : i32
    %dma_wait3A_41 = tpu.memref_slice %arg4[%dma_wait3A_39, %dma_wait3A_40] : memref<102400x128xf32, #tpu.memory_space<hbm>> -> memref<128x128xf32, #tpu.memory_space<hbm>>
    %dma_wait3A_42 = tpu.memref_slice %arg8[%dma_wait3A_34] : memref<3x!tpu.dma_semaphore, #tpu.memory_space<semaphore_mem>> -> memref<1x!tpu.dma_semaphore, #tpu.memory_space<semaphore_mem>>
    %dma_wait3A_43 = tpu.memref_squeeze %dma_wait3A_42 : memref<1x!tpu.dma_semaphore, #tpu.memory_space<semaphore_mem>> -> memref<!tpu.dma_semaphore, #tpu.memory_space<semaphore_mem>>
    %dma_wait3A_44 = arith.constant 0 : i32
    %dma_wait3A_45 = arith.constant 0 : i32
    %dma_wait3A_46 = tpu.memref_slice %arg4[%dma_wait3A_44, %dma_wait3A_45] : memref<102400x128xf32, #tpu.memory_space<hbm>> -> memref<128x128xf32, #tpu.memory_space<hbm>>
    %dma_wait3A_47 = arith.constant 0 : i32
    %dma_wait3A_48 = arith.constant 0 : i32
    %dma_wait3A_49 = tpu.memref_slice %arg6[%dma_wait3A, %dma_wait3A_47, %dma_wait3A_48] : memref<3x128x128xf32, #tpu.memory_space<vmem>> -> memref<1x128x128xf32, #tpu.memory_space<vmem>>
    %dma_wait3A_50 = tpu.memref_squeeze %dma_wait3A_49 : memref<1x128x128xf32, #tpu.memory_space<vmem>> -> memref<128x128xf32, #tpu.memory_space<vmem>>
    tpu.wait_dma2 semaphore(%dma_wait3A_43 : memref<!tpu.dma_semaphore, #tpu.memory_space<semaphore_mem>>) src(%dma_wait3A_50 : memref<128x128xf32, #tpu.memory_space<vmem>>) dst(%dma_wait3A_46 : memref<128x128xf32, #tpu.memory_space<hbm>>)
    %dma_wait3A_51 = arith.constant 1 : i32
    %dma_wait3A_52 = arith.constant 1 : i32
    %dma_wait3A_53 = arith.constant 0 : i32
    %dma_wait3A_54 = arith.constant 0 : i32
    %dma_wait3A_55 = tpu.memref_slice %arg6[%dma_wait3A_51, %dma_wait3A_53, %dma_wait3A_54] : memref<3x128x128xf32, #tpu.memory_space<vmem>> -> memref<1x128x128xf32, #tpu.memory_space<vmem>>
    %dma_wait3A_56 = tpu.memref_squeeze %dma_wait3A_55 : memref<1x128x128xf32, #tpu.memory_space<vmem>> -> memref<128x128xf32, #tpu.memory_space<vmem>>
    %dma_wait3A_57 = arith.constant 0 : i32
    %dma_wait3A_58 = arith.constant 0 : i32
    %dma_wait3A_59 = tpu.memref_slice %arg4[%dma_wait3A_57, %dma_wait3A_58] : memref<102400x128xf32, #tpu.memory_space<hbm>> -> memref<128x128xf32, #tpu.memory_space<hbm>>
    %dma_wait3A_60 = tpu.memref_slice %arg8[%dma_wait3A_52] : memref<3x!tpu.dma_semaphore, #tpu.memory_space<semaphore_mem>> -> memref<1x!tpu.dma_semaphore, #tpu.memory_space<semaphore_mem>>
    %dma_wait3A_61 = tpu.memref_squeeze %dma_wait3A_60 : memref<1x!tpu.dma_semaphore, #tpu.memory_space<semaphore_mem>> -> memref<!tpu.dma_semaphore, #tpu.memory_space<semaphore_mem>>
    %dma_wait3A_62 = arith.constant 0 : i32
    %dma_wait3A_63 = arith.constant 0 : i32
    %dma_wait3A_64 = tpu.memref_slice %arg4[%dma_wait3A_62, %dma_wait3A_63] : memref<102400x128xf32, #tpu.memory_space<hbm>> -> memref<128x128xf32, #tpu.memory_space<hbm>>
    %dma_wait3A_65 = arith.constant 0 : i32
    %dma_wait3A_66 = arith.constant 0 : i32
    %dma_wait3A_67 = tpu.memref_slice %arg6[%dma_wait3A_51, %dma_wait3A_65, %dma_wait3A_66] : memref<3x128x128xf32, #tpu.memory_space<vmem>> -> memref<1x128x128xf32, #tpu.memory_space<vmem>>
    %dma_wait3A_68 = tpu.memref_squeeze %dma_wait3A_67 : memref<1x128x128xf32, #tpu.memory_space<vmem>> -> memref<128x128xf32, #tpu.memory_space<vmem>>
    tpu.wait_dma2 semaphore(%dma_wait3A_61 : memref<!tpu.dma_semaphore, #tpu.memory_space<semaphore_mem>>) src(%dma_wait3A_68 : memref<128x128xf32, #tpu.memory_space<vmem>>) dst(%dma_wait3A_64 : memref<128x128xf32, #tpu.memory_space<hbm>>)
    %dma_wait3A_69 = arith.constant 2 : i32
    %dma_wait3A_70 = arith.constant 2 : i32
    %dma_wait3A_71 = arith.constant 0 : i32
    %dma_wait3A_72 = arith.constant 0 : i32
    %dma_wait3A_73 = tpu.memref_slice %arg6[%dma_wait3A_69, %dma_wait3A_71, %dma_wait3A_72] : memref<3x128x128xf32, #tpu.memory_space<vmem>> -> memref<1x128x128xf32, #tpu.memory_space<vmem>>
    %dma_wait3A_74 = tpu.memref_squeeze %dma_wait3A_73 : memref<1x128x128xf32, #tpu.memory_space<vmem>> -> memref<128x128xf32, #tpu.memory_space<vmem>>
    %dma_wait3A_75 = arith.constant 0 : i32
    %dma_wait3A_76 = arith.constant 0 : i32
    %dma_wait3A_77 = tpu.memref_slice %arg4[%dma_wait3A_75, %dma_wait3A_76] : memref<102400x128xf32, #tpu.memory_space<hbm>> -> memref<128x128xf32, #tpu.memory_space<hbm>>
    %dma_wait3A_78 = tpu.memref_slice %arg8[%dma_wait3A_70] : memref<3x!tpu.dma_semaphore, #tpu.memory_space<semaphore_mem>> -> memref<1x!tpu.dma_semaphore, #tpu.memory_space<semaphore_mem>>
    %dma_wait3A_79 = tpu.memref_squeeze %dma_wait3A_78 : memref<1x!tpu.dma_semaphore, #tpu.memory_space<semaphore_mem>> -> memref<!tpu.dma_semaphore, #tpu.memory_space<semaphore_mem>>
    %dma_wait3A_80 = arith.constant 0 : i32
    %dma_wait3A_81 = arith.constant 0 : i32
    %dma_wait3A_82 = tpu.memref_slice %arg4[%dma_wait3A_80, %dma_wait3A_81] : memref<102400x128xf32, #tpu.memory_space<hbm>> -> memref<128x128xf32, #tpu.memory_space<hbm>>
    %dma_wait3A_83 = arith.constant 0 : i32
    %dma_wait3A_84 = arith.constant 0 : i32
    %dma_wait3A_85 = tpu.memref_slice %arg6[%dma_wait3A_69, %dma_wait3A_83, %dma_wait3A_84] : memref<3x128x128xf32, #tpu.memory_space<vmem>> -> memref<1x128x128xf32, #tpu.memory_space<vmem>>
    %dma_wait3A_86 = tpu.memref_squeeze %dma_wait3A_85 : memref<1x128x128xf32, #tpu.memory_space<vmem>> -> memref<128x128xf32, #tpu.memory_space<vmem>>
    tpu.wait_dma2 semaphore(%dma_wait3A_79 : memref<!tpu.dma_semaphore, #tpu.memory_space<semaphore_mem>>) src(%dma_wait3A_86 : memref<128x128xf32, #tpu.memory_space<vmem>>) dst(%dma_wait3A_82 : memref<128x128xf32, #tpu.memory_space<hbm>>)
    return
  }
}

#map = affine_map<(d0, d1) -> (0)>
#map1 = affine_map<(d0, d1) -> (0, 0)>
module attributes {stable_mosaic.version = 14 : i64} {
  func.func @body(%arg0: i32, %arg1: i32, %arg2: memref<102400xi32, #tpu.memory_space<hbm>>, %arg3: memref<100000x128xf32, #tpu.memory_space<hbm>>, %arg4: memref<102400x128xf32, #tpu.memory_space<hbm>>, %arg5: memref<3200xi32, #tpu.memory_space<vmem>>, %arg6: memref<3x128x128xf32, #tpu.memory_space<vmem>>, %arg7: memref<3x!tpu.dma_semaphore, #tpu.memory_space<semaphore_mem>>, %arg8: memref<3x!tpu.dma_semaphore, #tpu.memory_space<semaphore_mem>>) attributes {dimension_semantics = [#tpu.dimension_semantics<core_parallel>, #tpu.dimension_semantics<subcore_parallel>], iteration_bounds = array<i64: 2, 16>, scalar_prefetch = 0 : i64, scratch_operands = 4 : i64, tpu.core_type = #tpu.core_type<sc_vector_subcore>, window_params = [{transform_indices = #map}, {transform_indices = #map1}, {transform_indices = #map1}]} {
    %mul3A = arith.constant 2 : i32
    %mul3A_0 = arith.muli %arg1, %mul3A : i32
    %add3A = arith.addi %mul3A_0, %arg0 : i32
    %mul3A_1 = arith.constant 3200 : i32
    %mul3A_2 = arith.muli %add3A, %mul3A_1 : i32
    "tpu.region"() ({
      %run_scoped3A = tpu.sem_alloc : memref<!tpu.dma_semaphore, #tpu.memory_space<semaphore_mem>>
      %dma_start3A_87 = tpu.memref_slice %arg2[%mul3A_2] : memref<102400xi32, #tpu.memory_space<hbm>> -> memref<3200xi32, #tpu.memory_space<hbm>>
      %dma_start3A_88 = tpu.memref_slice %arg2[%mul3A_2] : memref<102400xi32, #tpu.memory_space<hbm>> -> memref<3200xi32, #tpu.memory_space<hbm>>
      tpu.enqueue_dma source(%dma_start3A_88 : memref<3200xi32, #tpu.memory_space<hbm>>) target(%arg5 : memref<3200xi32, #tpu.memory_space<vmem>>) target_semaphore(%run_scoped3A : memref<!tpu.dma_semaphore, #tpu.memory_space<semaphore_mem>>)
      %dma_wait3A_89 = tpu.memref_slice %arg2[%mul3A_2] : memref<102400xi32, #tpu.memory_space<hbm>> -> memref<3200xi32, #tpu.memory_space<hbm>>
      %dma_wait3A_90 = tpu.memref_slice %arg2[%mul3A_2] : memref<102400xi32, #tpu.memory_space<hbm>> -> memref<3200xi32, #tpu.memory_space<hbm>>
      tpu.wait_dma2 semaphore(%run_scoped3A : memref<!tpu.dma_semaphore, #tpu.memory_space<semaphore_mem>>) src(%dma_wait3A_90 : memref<3200xi32, #tpu.memory_space<hbm>>) dst(%arg5 : memref<3200xi32, #tpu.memory_space<vmem>>)
      tpu.yield
    }) : () -> ()
    %rem3A = arith.constant 0 : i32
    %rem3A_3 = arith.constant 3 : i32
    %rem3A_4 = arith.remsi %rem3A, %rem3A_3 : i32
    %dma_start3A = arith.constant 0 : i32
    %dma_start3A_5 = arith.constant 0 : i32
    %dma_start3A_6 = tpu.memref_slice %arg6[%rem3A_4, %dma_start3A, %dma_start3A_5] : memref<3x128x128xf32, #tpu.memory_space<vmem>> -> memref<1x128x128xf32, #tpu.memory_space<vmem>>
    %dma_start3A_7 = tpu.memref_squeeze %dma_start3A_6 : memref<1x128x128xf32, #tpu.memory_space<vmem>> -> memref<128x128xf32, #tpu.memory_space<vmem>>
    %dma_start3A_8 = arith.constant 0 : i32
    %dma_start3A_9 = tpu.memref_slice %arg5[%dma_start3A_8] : memref<3200xi32, #tpu.memory_space<vmem>> -> memref<128xi32, #tpu.memory_space<vmem>>
    %dma_start3A_10 = arith.constant 0 : i32
    %dma_start3A_11 = arith.constant 0 : i32
    %dma_start3A_12 = tpu.memref_slice %arg3[%dma_start3A_10, %dma_start3A_11] : memref<100000x128xf32, #tpu.memory_space<hbm>> -> memref<100000x128xf32, #tpu.memory_space<hbm>>
    %dma_start3A_13 = tpu.memref_slice %arg7[%rem3A_4] : memref<3x!tpu.dma_semaphore, #tpu.memory_space<semaphore_mem>> -> memref<1x!tpu.dma_semaphore, #tpu.memory_space<semaphore_mem>>
    %dma_start3A_14 = tpu.memref_squeeze %dma_start3A_13 : memref<1x!tpu.dma_semaphore, #tpu.memory_space<semaphore_mem>> -> memref<!tpu.dma_semaphore, #tpu.memory_space<semaphore_mem>>
    tpu.enqueue_indirect_dma source(%dma_start3A_12 : memref<100000x128xf32, #tpu.memory_space<hbm>>) target(%dma_start3A_7 : memref<128x128xf32, #tpu.memory_space<vmem>>) offsets(%dma_start3A_9 : memref<128xi32, #tpu.memory_space<vmem>>) semaphore(%dma_start3A_14 : memref<!tpu.dma_semaphore, #tpu.memory_space<semaphore_mem>>)
    %rem3A_15 = arith.constant 1 : i32
    %rem3A_16 = arith.constant 3 : i32
    %rem3A_17 = arith.remsi %rem3A_15, %rem3A_16 : i32
    %dma_start3A_18 = arith.constant 0 : i32
    %dma_start3A_19 = arith.constant 0 : i32
    %dma_start3A_20 = tpu.memref_slice %arg6[%rem3A_17, %dma_start3A_18, %dma_start3A_19] : memref<3x128x128xf32, #tpu.memory_space<vmem>> -> memref<1x128x128xf32, #tpu.memory_space<vmem>>
    %dma_start3A_21 = tpu.memref_squeeze %dma_start3A_20 : memref<1x128x128xf32, #tpu.memory_space<vmem>> -> memref<128x128xf32, #tpu.memory_space<vmem>>
    %dma_start3A_22 = arith.constant 128 : i32
    %dma_start3A_23 = tpu.memref_slice %arg5[%dma_start3A_22] : memref<3200xi32, #tpu.memory_space<vmem>> -> memref<128xi32, #tpu.memory_space<vmem>>
    %dma_start3A_24 = arith.constant 0 : i32
    %dma_start3A_25 = arith.constant 0 : i32
    %dma_start3A_26 = tpu.memref_slice %arg3[%dma_start3A_24, %dma_start3A_25] : memref<100000x128xf32, #tpu.memory_space<hbm>> -> memref<100000x128xf32, #tpu.memory_space<hbm>>
    %dma_start3A_27 = tpu.memref_slice %arg7[%rem3A_17] : memref<3x!tpu.dma_semaphore, #tpu.memory_space<semaphore_mem>> -> memref<1x!tpu.dma_semaphore, #tpu.memory_space<semaphore_mem>>
    %dma_start3A_28 = tpu.memref_squeeze %dma_start3A_27 : memref<1x!tpu.dma_semaphore, #tpu.memory_space<semaphore_mem>> -> memref<!tpu.dma_semaphore, #tpu.memory_space<semaphore_mem>>
    tpu.enqueue_indirect_dma source(%dma_start3A_26 : memref<100000x128xf32, #tpu.memory_space<hbm>>) target(%dma_start3A_21 : memref<128x128xf32, #tpu.memory_space<vmem>>) offsets(%dma_start3A_23 : memref<128xi32, #tpu.memory_space<vmem>>) semaphore(%dma_start3A_28 : memref<!tpu.dma_semaphore, #tpu.memory_space<semaphore_mem>>)
    %scan3A = arith.constant 0 : i32
    %scan3A_29 = arith.constant 0 : i32
    %scan3A_30 = arith.constant 25 : i32
    %scan3A_31 = arith.addi %scan3A_29, %scan3A_30 : i32
    %scan3A_32 = arith.constant 1 : i32
    scf.for %scan3A_87 = %scan3A_29 to %scan3A_31 step %scan3A_32  : i32 {
      %rem3A_88 = arith.constant 3 : i32
      %rem3A_89 = arith.remsi %scan3A_87, %rem3A_88 : i32
      %dma_wait3A_90 = arith.constant 0 : i32
      %dma_wait3A_91 = arith.constant 0 : i32
      %dma_wait3A_92 = tpu.memref_slice %arg6[%rem3A_89, %dma_wait3A_90, %dma_wait3A_91] : memref<3x128x128xf32, #tpu.memory_space<vmem>> -> memref<1x128x128xf32, #tpu.memory_space<vmem>>
      %dma_wait3A_93 = tpu.memref_squeeze %dma_wait3A_92 : memref<1x128x128xf32, #tpu.memory_space<vmem>> -> memref<128x128xf32, #tpu.memory_space<vmem>>
      %dma_wait3A_94 = arith.constant 0 : i32
      %dma_wait3A_95 = arith.constant 0 : i32
      %dma_wait3A_96 = tpu.memref_slice %arg3[%dma_wait3A_94, %dma_wait3A_95] : memref<100000x128xf32, #tpu.memory_space<hbm>> -> memref<128x128xf32, #tpu.memory_space<hbm>>
      %dma_wait3A_97 = tpu.memref_slice %arg7[%rem3A_89] : memref<3x!tpu.dma_semaphore, #tpu.memory_space<semaphore_mem>> -> memref<1x!tpu.dma_semaphore, #tpu.memory_space<semaphore_mem>>
      %dma_wait3A_98 = tpu.memref_squeeze %dma_wait3A_97 : memref<1x!tpu.dma_semaphore, #tpu.memory_space<semaphore_mem>> -> memref<!tpu.dma_semaphore, #tpu.memory_space<semaphore_mem>>
      %dma_wait3A_99 = arith.constant 0 : i32
      %dma_wait3A_100 = arith.constant 0 : i32
      %dma_wait3A_101 = tpu.memref_slice %arg6[%rem3A_89, %dma_wait3A_99, %dma_wait3A_100] : memref<3x128x128xf32, #tpu.memory_space<vmem>> -> memref<1x128x128xf32, #tpu.memory_space<vmem>>
      %dma_wait3A_102 = tpu.memref_squeeze %dma_wait3A_101 : memref<1x128x128xf32, #tpu.memory_space<vmem>> -> memref<128x128xf32, #tpu.memory_space<vmem>>
      %dma_wait3A_103 = arith.constant 0 : i32
      %dma_wait3A_104 = arith.constant 0 : i32
      %dma_wait3A_105 = tpu.memref_slice %arg3[%dma_wait3A_103, %dma_wait3A_104] : memref<100000x128xf32, #tpu.memory_space<hbm>> -> memref<128x128xf32, #tpu.memory_space<hbm>>
      tpu.wait_dma2 semaphore(%dma_wait3A_98 : memref<!tpu.dma_semaphore, #tpu.memory_space<semaphore_mem>>) src(%dma_wait3A_105 : memref<128x128xf32, #tpu.memory_space<hbm>>) dst(%dma_wait3A_102 : memref<128x128xf32, #tpu.memory_space<vmem>>)
      %mul3A_106 = arith.constant 128 : i32
      %mul3A_107 = arith.muli %scan3A_87, %mul3A_106 : i32
      %add3A_108 = arith.addi %mul3A_2, %mul3A_107 : i32
      %dma_start3A_109 = arith.constant 0 : i32
      %dma_start3A_110 = arith.constant 0 : i32
      %dma_start3A_111 = tpu.memref_slice %arg6[%rem3A_89, %dma_start3A_109, %dma_start3A_110] : memref<3x128x128xf32, #tpu.memory_space<vmem>> -> memref<1x128x128xf32, #tpu.memory_space<vmem>>
      %dma_start3A_112 = tpu.memref_squeeze %dma_start3A_111 : memref<1x128x128xf32, #tpu.memory_space<vmem>> -> memref<128x128xf32, #tpu.memory_space<vmem>>
      %dma_start3A_113 = arith.constant 0 : i32
      %dma_start3A_114 = tpu.memref_slice %arg4[%add3A_108, %dma_start3A_113] : memref<102400x128xf32, #tpu.memory_space<hbm>> -> memref<128x128xf32, #tpu.memory_space<hbm>>
      %dma_start3A_115 = tpu.memref_slice %arg8[%rem3A_89] : memref<3x!tpu.dma_semaphore, #tpu.memory_space<semaphore_mem>> -> memref<1x!tpu.dma_semaphore, #tpu.memory_space<semaphore_mem>>
      %dma_start3A_116 = tpu.memref_squeeze %dma_start3A_115 : memref<1x!tpu.dma_semaphore, #tpu.memory_space<semaphore_mem>> -> memref<!tpu.dma_semaphore, #tpu.memory_space<semaphore_mem>>
      %dma_start3A_117 = arith.constant 0 : i32
      %dma_start3A_118 = tpu.memref_slice %arg4[%add3A_108, %dma_start3A_117] : memref<102400x128xf32, #tpu.memory_space<hbm>> -> memref<128x128xf32, #tpu.memory_space<hbm>>
      %dma_start3A_119 = arith.constant 0 : i32
      %dma_start3A_120 = arith.constant 0 : i32
      %dma_start3A_121 = tpu.memref_slice %arg6[%rem3A_89, %dma_start3A_119, %dma_start3A_120] : memref<3x128x128xf32, #tpu.memory_space<vmem>> -> memref<1x128x128xf32, #tpu.memory_space<vmem>>
      %dma_start3A_122 = tpu.memref_squeeze %dma_start3A_121 : memref<1x128x128xf32, #tpu.memory_space<vmem>> -> memref<128x128xf32, #tpu.memory_space<vmem>>
      tpu.enqueue_dma source(%dma_start3A_122 : memref<128x128xf32, #tpu.memory_space<vmem>>) target(%dma_start3A_118 : memref<128x128xf32, #tpu.memory_space<hbm>>) target_semaphore(%dma_start3A_116 : memref<!tpu.dma_semaphore, #tpu.memory_space<semaphore_mem>>)
      %add3A_123 = arith.constant 2 : i32
      %add3A_124 = arith.addi %scan3A_87, %add3A_123 : i32
      %lt3A = arith.constant 25 : i32
      %lt3A_125 = arith.cmpi slt, %add3A_124, %lt3A : i32
      %convert_element_type3A = arith.extui %lt3A_125 : i1 to i32
      %cond3A = arith.constant 0 : i32
      %cond3A_126 = arith.cmpi ne, %convert_element_type3A, %cond3A : i32
      scf.if %cond3A_126 {
        %add3A_127 = arith.constant 2 : i32
        %add3A_128 = arith.addi %scan3A_87, %add3A_127 : i32
        %rem3A_129 = arith.constant 3 : i32
        %rem3A_130 = arith.remsi %add3A_128, %rem3A_129 : i32
        %ge3A = arith.constant 1 : i32
        %ge3A_131 = arith.cmpi sge, %scan3A_87, %ge3A : i32
        %convert_element_type3A_132 = arith.extui %ge3A_131 : i1 to i32
        %cond3A_133 = arith.constant 0 : i32
        %cond3A_134 = arith.cmpi ne, %convert_element_type3A_132, %cond3A_133 : i32
        scf.if %cond3A_134 {
          %dma_wait3A_151 = arith.constant 0 : i32
          %dma_wait3A_152 = arith.constant 0 : i32
          %dma_wait3A_153 = tpu.memref_slice %arg6[%rem3A_130, %dma_wait3A_151, %dma_wait3A_152] : memref<3x128x128xf32, #tpu.memory_space<vmem>> -> memref<1x128x128xf32, #tpu.memory_space<vmem>>
          %dma_wait3A_154 = tpu.memref_squeeze %dma_wait3A_153 : memref<1x128x128xf32, #tpu.memory_space<vmem>> -> memref<128x128xf32, #tpu.memory_space<vmem>>
          %dma_wait3A_155 = arith.constant 0 : i32
          %dma_wait3A_156 = arith.constant 0 : i32
          %dma_wait3A_157 = tpu.memref_slice %arg4[%dma_wait3A_155, %dma_wait3A_156] : memref<102400x128xf32, #tpu.memory_space<hbm>> -> memref<128x128xf32, #tpu.memory_space<hbm>>
          %dma_wait3A_158 = tpu.memref_slice %arg8[%rem3A_130] : memref<3x!tpu.dma_semaphore, #tpu.memory_space<semaphore_mem>> -> memref<1x!tpu.dma_semaphore, #tpu.memory_space<semaphore_mem>>
          %dma_wait3A_159 = tpu.memref_squeeze %dma_wait3A_158 : memref<1x!tpu.dma_semaphore, #tpu.memory_space<semaphore_mem>> -> memref<!tpu.dma_semaphore, #tpu.memory_space<semaphore_mem>>
          %dma_wait3A_160 = arith.constant 0 : i32
          %dma_wait3A_161 = arith.constant 0 : i32
          %dma_wait3A_162 = tpu.memref_slice %arg4[%dma_wait3A_160, %dma_wait3A_161] : memref<102400x128xf32, #tpu.memory_space<hbm>> -> memref<128x128xf32, #tpu.memory_space<hbm>>
          %dma_wait3A_163 = arith.constant 0 : i32
          %dma_wait3A_164 = arith.constant 0 : i32
          %dma_wait3A_165 = tpu.memref_slice %arg6[%rem3A_130, %dma_wait3A_163, %dma_wait3A_164] : memref<3x128x128xf32, #tpu.memory_space<vmem>> -> memref<1x128x128xf32, #tpu.memory_space<vmem>>
          %dma_wait3A_166 = tpu.memref_squeeze %dma_wait3A_165 : memref<1x128x128xf32, #tpu.memory_space<vmem>> -> memref<128x128xf32, #tpu.memory_space<vmem>>
          tpu.wait_dma2 semaphore(%dma_wait3A_159 : memref<!tpu.dma_semaphore, #tpu.memory_space<semaphore_mem>>) src(%dma_wait3A_166 : memref<128x128xf32, #tpu.memory_space<vmem>>) dst(%dma_wait3A_162 : memref<128x128xf32, #tpu.memory_space<hbm>>)
        } else {
        }
        %add3A_135 = arith.constant 2 : i32
        %add3A_136 = arith.addi %scan3A_87, %add3A_135 : i32
        %rem3A_137 = arith.constant 3 : i32
        %rem3A_138 = arith.remsi %add3A_136, %rem3A_137 : i32
        %mul3A_139 = arith.constant 128 : i32
        %mul3A_140 = arith.muli %add3A_136, %mul3A_139 : i32
        %dma_start3A_141 = arith.constant 0 : i32
        %dma_start3A_142 = arith.constant 0 : i32
        %dma_start3A_143 = tpu.memref_slice %arg6[%rem3A_138, %dma_start3A_141, %dma_start3A_142] : memref<3x128x128xf32, #tpu.memory_space<vmem>> -> memref<1x128x128xf32, #tpu.memory_space<vmem>>
        %dma_start3A_144 = tpu.memref_squeeze %dma_start3A_143 : memref<1x128x128xf32, #tpu.memory_space<vmem>> -> memref<128x128xf32, #tpu.memory_space<vmem>>
        %dma_start3A_145 = tpu.memref_slice %arg5[%mul3A_140] : memref<3200xi32, #tpu.memory_space<vmem>> -> memref<128xi32, #tpu.memory_space<vmem>>
        %dma_start3A_146 = arith.constant 0 : i32
        %dma_start3A_147 = arith.constant 0 : i32
        %dma_start3A_148 = tpu.memref_slice %arg3[%dma_start3A_146, %dma_start3A_147] : memref<100000x128xf32, #tpu.memory_space<hbm>> -> memref<100000x128xf32, #tpu.memory_space<hbm>>
        %dma_start3A_149 = tpu.memref_slice %arg7[%rem3A_138] : memref<3x!tpu.dma_semaphore, #tpu.memory_space<semaphore_mem>> -> memref<1x!tpu.dma_semaphore, #tpu.memory_space<semaphore_mem>>
        %dma_start3A_150 = tpu.memref_squeeze %dma_start3A_149 : memref<1x!tpu.dma_semaphore, #tpu.memory_space<semaphore_mem>> -> memref<!tpu.dma_semaphore, #tpu.memory_space<semaphore_mem>>
        tpu.enqueue_indirect_dma source(%dma_start3A_148 : memref<100000x128xf32, #tpu.memory_space<hbm>>) target(%dma_start3A_144 : memref<128x128xf32, #tpu.memory_space<vmem>>) offsets(%dma_start3A_145 : memref<128xi32, #tpu.memory_space<vmem>>) semaphore(%dma_start3A_150 : memref<!tpu.dma_semaphore, #tpu.memory_space<semaphore_mem>>)
      } else {
      }
    }
    %scan3A_33 = arith.constant 25 : i32
    %dma_wait3A = arith.constant 0 : i32
    %dma_wait3A_34 = arith.constant 0 : i32
    %dma_wait3A_35 = arith.constant 0 : i32
    %dma_wait3A_36 = arith.constant 0 : i32
    %dma_wait3A_37 = tpu.memref_slice %arg6[%dma_wait3A, %dma_wait3A_35, %dma_wait3A_36] : memref<3x128x128xf32, #tpu.memory_space<vmem>> -> memref<1x128x128xf32, #tpu.memory_space<vmem>>
    %dma_wait3A_38 = tpu.memref_squeeze %dma_wait3A_37 : memref<1x128x128xf32, #tpu.memory_space<vmem>> -> memref<128x128xf32, #tpu.memory_space<vmem>>
    %dma_wait3A_39 = arith.constant 0 : i32
    %dma_wait3A_40 = arith.constant 0 : i32
    %dma_wait3A_41 = tpu.memref_slice %arg4[%dma_wait3A_39, %dma_wait3A_40] : memref<102400x128xf32, #tpu.memory_space<hbm>> -> memref<128x128xf32, #tpu.memory_space<hbm>>
    %dma_wait3A_42 = tpu.memref_slice %arg8[%dma_wait3A_34] : memref<3x!tpu.dma_semaphore, #tpu.memory_space<semaphore_mem>> -> memref<1x!tpu.dma_semaphore, #tpu.memory_space<semaphore_mem>>
    %dma_wait3A_43 = tpu.memref_squeeze %dma_wait3A_42 : memref<1x!tpu.dma_semaphore, #tpu.memory_space<semaphore_mem>> -> memref<!tpu.dma_semaphore, #tpu.memory_space<semaphore_mem>>
    %dma_wait3A_44 = arith.constant 0 : i32
    %dma_wait3A_45 = arith.constant 0 : i32
    %dma_wait3A_46 = tpu.memref_slice %arg4[%dma_wait3A_44, %dma_wait3A_45] : memref<102400x128xf32, #tpu.memory_space<hbm>> -> memref<128x128xf32, #tpu.memory_space<hbm>>
    %dma_wait3A_47 = arith.constant 0 : i32
    %dma_wait3A_48 = arith.constant 0 : i32
    %dma_wait3A_49 = tpu.memref_slice %arg6[%dma_wait3A, %dma_wait3A_47, %dma_wait3A_48] : memref<3x128x128xf32, #tpu.memory_space<vmem>> -> memref<1x128x128xf32, #tpu.memory_space<vmem>>
    %dma_wait3A_50 = tpu.memref_squeeze %dma_wait3A_49 : memref<1x128x128xf32, #tpu.memory_space<vmem>> -> memref<128x128xf32, #tpu.memory_space<vmem>>
    tpu.wait_dma2 semaphore(%dma_wait3A_43 : memref<!tpu.dma_semaphore, #tpu.memory_space<semaphore_mem>>) src(%dma_wait3A_50 : memref<128x128xf32, #tpu.memory_space<vmem>>) dst(%dma_wait3A_46 : memref<128x128xf32, #tpu.memory_space<hbm>>)
    %dma_wait3A_51 = arith.constant 1 : i32
    %dma_wait3A_52 = arith.constant 1 : i32
    %dma_wait3A_53 = arith.constant 0 : i32
    %dma_wait3A_54 = arith.constant 0 : i32
    %dma_wait3A_55 = tpu.memref_slice %arg6[%dma_wait3A_51, %dma_wait3A_53, %dma_wait3A_54] : memref<3x128x128xf32, #tpu.memory_space<vmem>> -> memref<1x128x128xf32, #tpu.memory_space<vmem>>
    %dma_wait3A_56 = tpu.memref_squeeze %dma_wait3A_55 : memref<1x128x128xf32, #tpu.memory_space<vmem>> -> memref<128x128xf32, #tpu.memory_space<vmem>>
    %dma_wait3A_57 = arith.constant 0 : i32
    %dma_wait3A_58 = arith.constant 0 : i32
    %dma_wait3A_59 = tpu.memref_slice %arg4[%dma_wait3A_57, %dma_wait3A_58] : memref<102400x128xf32, #tpu.memory_space<hbm>> -> memref<128x128xf32, #tpu.memory_space<hbm>>
    %dma_wait3A_60 = tpu.memref_slice %arg8[%dma_wait3A_52] : memref<3x!tpu.dma_semaphore, #tpu.memory_space<semaphore_mem>> -> memref<1x!tpu.dma_semaphore, #tpu.memory_space<semaphore_mem>>
    %dma_wait3A_61 = tpu.memref_squeeze %dma_wait3A_60 : memref<1x!tpu.dma_semaphore, #tpu.memory_space<semaphore_mem>> -> memref<!tpu.dma_semaphore, #tpu.memory_space<semaphore_mem>>
    %dma_wait3A_62 = arith.constant 0 : i32
    %dma_wait3A_63 = arith.constant 0 : i32
    %dma_wait3A_64 = tpu.memref_slice %arg4[%dma_wait3A_62, %dma_wait3A_63] : memref<102400x128xf32, #tpu.memory_space<hbm>> -> memref<128x128xf32, #tpu.memory_space<hbm>>
    %dma_wait3A_65 = arith.constant 0 : i32
    %dma_wait3A_66 = arith.constant 0 : i32
    %dma_wait3A_67 = tpu.memref_slice %arg6[%dma_wait3A_51, %dma_wait3A_65, %dma_wait3A_66] : memref<3x128x128xf32, #tpu.memory_space<vmem>> -> memref<1x128x128xf32, #tpu.memory_space<vmem>>
    %dma_wait3A_68 = tpu.memref_squeeze %dma_wait3A_67 : memref<1x128x128xf32, #tpu.memory_space<vmem>> -> memref<128x128xf32, #tpu.memory_space<vmem>>
    tpu.wait_dma2 semaphore(%dma_wait3A_61 : memref<!tpu.dma_semaphore, #tpu.memory_space<semaphore_mem>>) src(%dma_wait3A_68 : memref<128x128xf32, #tpu.memory_space<vmem>>) dst(%dma_wait3A_64 : memref<128x128xf32, #tpu.memory_space<hbm>>)
    %dma_wait3A_69 = arith.constant 2 : i32
    %dma_wait3A_70 = arith.constant 2 : i32
    %dma_wait3A_71 = arith.constant 0 : i32
    %dma_wait3A_72 = arith.constant 0 : i32
    %dma_wait3A_73 = tpu.memref_slice %arg6[%dma_wait3A_69, %dma_wait3A_71, %dma_wait3A_72] : memref<3x128x128xf32, #tpu.memory_space<vmem>> -> memref<1x128x128xf32, #tpu.memory_space<vmem>>
    %dma_wait3A_74 = tpu.memref_squeeze %dma_wait3A_73 : memref<1x128x128xf32, #tpu.memory_space<vmem>> -> memref<128x128xf32, #tpu.memory_space<vmem>>
    %dma_wait3A_75 = arith.constant 0 : i32
    %dma_wait3A_76 = arith.constant 0 : i32
    %dma_wait3A_77 = tpu.memref_slice %arg4[%dma_wait3A_75, %dma_wait3A_76] : memref<102400x128xf32, #tpu.memory_space<hbm>> -> memref<128x128xf32, #tpu.memory_space<hbm>>
    %dma_wait3A_78 = tpu.memref_slice %arg8[%dma_wait3A_70] : memref<3x!tpu.dma_semaphore, #tpu.memory_space<semaphore_mem>> -> memref<1x!tpu.dma_semaphore, #tpu.memory_space<semaphore_mem>>
    %dma_wait3A_79 = tpu.memref_squeeze %dma_wait3A_78 : memref<1x!tpu.dma_semaphore, #tpu.memory_space<semaphore_mem>> -> memref<!tpu.dma_semaphore, #tpu.memory_space<semaphore_mem>>
    %dma_wait3A_80 = arith.constant 0 : i32
    %dma_wait3A_81 = arith.constant 0 : i32
    %dma_wait3A_82 = tpu.memref_slice %arg4[%dma_wait3A_80, %dma_wait3A_81] : memref<102400x128xf32, #tpu.memory_space<hbm>> -> memref<128x128xf32, #tpu.memory_space<hbm>>
    %dma_wait3A_83 = arith.constant 0 : i32
    %dma_wait3A_84 = arith.constant 0 : i32
    %dma_wait3A_85 = tpu.memref_slice %arg6[%dma_wait3A_69, %dma_wait3A_83, %dma_wait3A_84] : memref<3x128x128xf32, #tpu.memory_space<vmem>> -> memref<1x128x128xf32, #tpu.memory_space<vmem>>
    %dma_wait3A_86 = tpu.memref_squeeze %dma_wait3A_85 : memref<1x128x128xf32, #tpu.memory_space<vmem>> -> memref<128x128xf32, #tpu.memory_space<vmem>>
    tpu.wait_dma2 semaphore(%dma_wait3A_79 : memref<!tpu.dma_semaphore, #tpu.memory_space<semaphore_mem>>) src(%dma_wait3A_86 : memref<128x128xf32, #tpu.memory_space<vmem>>) dst(%dma_wait3A_82 : memref<128x128xf32, #tpu.memory_space<hbm>>)
    return
  }
}

module attributes {stable_mosaic.version = 14 : i64} {
  func.func @_tc_ln_body(%arg0: i32, %arg1: memref<16x200x128xf32, #tpu.memory_space<vmem>>, %arg2: memref<16x200xi32, #tpu.memory_space<vmem>>, %arg3: memref<200x128xf32, #tpu.memory_space<vmem>>, %arg4: memref<2x128xf32, #tpu.memory_space<vmem>>, %arg5: memref<128xf32, #tpu.memory_space<vmem>>, %arg6: memref<128xf32, #tpu.memory_space<vmem>>, %arg7: memref<16x200x128xf32, #tpu.memory_space<vmem>>) attributes {dimension_semantics = [#tpu.dimension_semantics<arbitrary>], iteration_bounds = array<i64: 32>, scalar_prefetch = 0 : i64, scratch_operands = 0 : i64, tpu.core_type = #tpu.core_type<tc>, window_params = [{transform_indices = @transform_0, window_bounds = array<i64: 16, 200, 128>}, {transform_indices = @transform_1, window_bounds = array<i64: 16, 200>}, {pipeline_mode = #tpu.pipeline_mode<synchronous>, transform_indices = @transform_2, window_bounds = array<i64: 200, 128>}, {pipeline_mode = #tpu.pipeline_mode<synchronous>, transform_indices = @transform_3, window_bounds = array<i64: 2, 128>}, {pipeline_mode = #tpu.pipeline_mode<synchronous>, transform_indices = @transform_4, window_bounds = array<i64: 128>}, {pipeline_mode = #tpu.pipeline_mode<synchronous>, transform_indices = @transform_5, window_bounds = array<i64: 128>}, {transform_indices = @transform_6, window_bounds = array<i64: 16, 200, 128>}]} {
    %get3A = arith.constant 0 : index
    %get3A_0 = arith.constant 0 : index
    %get3A_1 = arith.constant 0 : index
    %get3A_2 = vector.load %arg1[%get3A, %get3A_0, %get3A_1] : memref<16x200x128xf32, #tpu.memory_space<vmem>>, vector<16x200x128xf32>
    %get3A_3 = arith.constant 0 : index
    %get3A_4 = arith.constant 0 : index
    %get3A_5 = vector.load %arg2[%get3A_3, %get3A_4] : memref<16x200xi32, #tpu.memory_space<vmem>>, vector<16x200xi32>
    %get3A_6 = arith.constant 0 : index
    %get3A_7 = arith.constant 0 : index
    %get3A_8 = vector.load %arg4[%get3A_6, %get3A_7] : memref<2x128xf32, #tpu.memory_space<vmem>>, vector<1x128xf32>
    %get3A_9 = vector.shape_cast %get3A_8 : vector<1x128xf32> to vector<128xf32>
    %broadcast_in_dim3A = vector.shape_cast %get3A_9 : vector<128xf32> to vector<1x1x128xf32>
    %get3A_10 = arith.constant 1 : index
    %get3A_11 = arith.constant 0 : index
    %get3A_12 = vector.load %arg4[%get3A_10, %get3A_11] : memref<2x128xf32, #tpu.memory_space<vmem>>, vector<1x128xf32>
    %get3A_13 = vector.shape_cast %get3A_12 : vector<1x128xf32> to vector<128xf32>
    %broadcast_in_dim3A_14 = vector.shape_cast %get3A_13 : vector<128xf32> to vector<1x1x128xf32>
    %convert_element_type3A = arith.sitofp %get3A_5 : vector<16x200xi32> to vector<16x200xf32>
    %broadcast_in_dim3A_15 = vector.shape_cast %convert_element_type3A : vector<16x200xf32> to vector<16x200x1xf32>
    %broadcast_in_dim3A_16 = vector.broadcast %broadcast_in_dim3A_15 : vector<16x200x1xf32> to vector<16x200x128xf32>
    %get3A_17 = arith.constant 0 : index
    %get3A_18 = arith.constant 0 : index
    %get3A_19 = vector.load %arg3[%get3A_17, %get3A_18] : memref<200x128xf32, #tpu.memory_space<vmem>>, vector<200x128xf32>
    %broadcast_in_dim3A_20 = vector.shape_cast %get3A_19 : vector<200x128xf32> to vector<1x200x128xf32>
    %add3A = vector.broadcast %broadcast_in_dim3A_20 : vector<1x200x128xf32> to vector<16x200x128xf32>
    %add3A_21 = arith.addf %get3A_2, %add3A : vector<16x200x128xf32>
    %sub3A = arith.subf %broadcast_in_dim3A_14, %broadcast_in_dim3A : vector<1x1x128xf32>
    %mul3A = vector.broadcast %sub3A : vector<1x1x128xf32> to vector<16x200x128xf32>
    %mul3A_22 = arith.mulf %broadcast_in_dim3A_16, %mul3A : vector<16x200x128xf32>
    %add3A_23 = vector.broadcast %broadcast_in_dim3A : vector<1x1x128xf32> to vector<16x200x128xf32>
    %add3A_24 = arith.addf %add3A_23, %mul3A_22 : vector<16x200x128xf32>
    %add3A_25 = arith.addf %add3A_21, %add3A_24 : vector<16x200x128xf32>
    %reduce_sum3A = arith.constant dense<0.000000e+00> : vector<16x200xf32>
    %reduce_sum3A_26 = vector.multi_reduction <add>, %add3A_25, %reduce_sum3A [2] : vector<16x200x128xf32> to vector<16x200xf32>
    %broadcast_in_dim3A_27 = vector.shape_cast %reduce_sum3A_26 : vector<16x200xf32> to vector<16x200x1xf32>
    %div3A = arith.constant 1.280000e+02 : f32
    %div3A_28 = vector.broadcast %div3A : f32 to vector<16x200x1xf32>
    %div3A_29 = arith.divf %broadcast_in_dim3A_27, %div3A_28 : vector<16x200x1xf32>
    %mul3A_30 = arith.mulf %add3A_25, %add3A_25 : vector<16x200x128xf32>
    %reduce_sum3A_31 = arith.constant dense<0.000000e+00> : vector<16x200xf32>
    %reduce_sum3A_32 = vector.multi_reduction <add>, %mul3A_30, %reduce_sum3A_31 [2] : vector<16x200x128xf32> to vector<16x200xf32>
    %broadcast_in_dim3A_33 = vector.shape_cast %reduce_sum3A_32 : vector<16x200xf32> to vector<16x200x1xf32>
    %div3A_34 = arith.constant 1.280000e+02 : f32
    %div3A_35 = vector.broadcast %div3A_34 : f32 to vector<16x200x1xf32>
    %div3A_36 = arith.divf %broadcast_in_dim3A_33, %div3A_35 : vector<16x200x1xf32>
    %mul3A_37 = arith.mulf %div3A_29, %div3A_29 : vector<16x200x1xf32>
    %sub3A_38 = arith.subf %div3A_36, %mul3A_37 : vector<16x200x1xf32>
    %add3A_39 = arith.constant 9.99999996E-13 : f32
    %add3A_40 = vector.broadcast %add3A_39 : f32 to vector<16x200x1xf32>
    %add3A_41 = arith.addf %sub3A_38, %add3A_40 : vector<16x200x1xf32>
    %rsqrt3A = math.rsqrt %add3A_41 : vector<16x200x1xf32>
    %sub3A_42 = vector.broadcast %div3A_29 : vector<16x200x1xf32> to vector<16x200x128xf32>
    %sub3A_43 = arith.subf %add3A_25, %sub3A_42 : vector<16x200x128xf32>
    %mul3A_44 = vector.broadcast %rsqrt3A : vector<16x200x1xf32> to vector<16x200x128xf32>
    %mul3A_45 = arith.mulf %sub3A_43, %mul3A_44 : vector<16x200x128xf32>
    %get3A_46 = arith.constant 0 : index
    %get3A_47 = vector.load %arg5[%get3A_46] : memref<128xf32, #tpu.memory_space<vmem>>, vector<128xf32>
    %broadcast_in_dim3A_48 = vector.shape_cast %get3A_47 : vector<128xf32> to vector<1x1x128xf32>
    %mul3A_49 = vector.broadcast %broadcast_in_dim3A_48 : vector<1x1x128xf32> to vector<16x200x128xf32>
    %mul3A_50 = arith.mulf %mul3A_45, %mul3A_49 : vector<16x200x128xf32>
    %get3A_51 = arith.constant 0 : index
    %get3A_52 = vector.load %arg6[%get3A_51] : memref<128xf32, #tpu.memory_space<vmem>>, vector<128xf32>
    %broadcast_in_dim3A_53 = vector.shape_cast %get3A_52 : vector<128xf32> to vector<1x1x128xf32>
    %add3A_54 = vector.broadcast %broadcast_in_dim3A_53 : vector<1x1x128xf32> to vector<16x200x128xf32>
    %add3A_55 = arith.addf %mul3A_50, %add3A_54 : vector<16x200x128xf32>
    %swap3A = arith.constant 0 : index
    %swap3A_56 = arith.constant 0 : index
    %swap3A_57 = arith.constant 0 : index
    %swap3A_58 = vector.load %arg7[%swap3A, %swap3A_56, %swap3A_57] : memref<16x200x128xf32, #tpu.memory_space<vmem>>, vector<16x200x128xf32>
    tpu.vector_store %arg7[%swap3A, %swap3A_56, %swap3A_57], %add3A_55 {strides = array<i32>} : memref<16x200x128xf32, #tpu.memory_space<vmem>>, vector<16x200x128xf32>,
    return
  }
  func.func @transform_0(%arg0: i32) -> (i32, i32, i32) {
    %c0_i32 = arith.constant 0 : i32
    %c0_i32_0 = arith.constant 0 : i32
    %c0_i32_1 = arith.constant 0 : i32
    return %arg0, %c0_i32, %c0_i32_0 : i32, i32, i32
  }
  func.func @transform_1(%arg0: i32) -> (i32, i32) {
    %c0_i32 = arith.constant 0 : i32
    %c0_i32_0 = arith.constant 0 : i32
    return %arg0, %c0_i32 : i32, i32
  }
  func.func @transform_2(%arg0: i32) -> (i32, i32) {
    %c0_i32 = arith.constant 0 : i32
    %c0_i32_0 = arith.constant 0 : i32
    %c0_i32_1 = arith.constant 0 : i32
    return %c0_i32, %c0_i32_0 : i32, i32
  }
  func.func @transform_3(%arg0: i32) -> (i32, i32) {
    %c0_i32 = arith.constant 0 : i32
    %c0_i32_0 = arith.constant 0 : i32
    %c0_i32_1 = arith.constant 0 : i32
    return %c0_i32, %c0_i32_0 : i32, i32
  }
  func.func @transform_4(%arg0: i32) -> i32 {
    %c0_i32 = arith.constant 0 : i32
    %c0_i32_0 = arith.constant 0 : i32
    return %c0_i32 : i32
  }
  func.func @transform_5(%arg0: i32) -> i32 {
    %c0_i32 = arith.constant 0 : i32
    %c0_i32_0 = arith.constant 0 : i32
    return %c0_i32 : i32
  }
  func.func @transform_6(%arg0: i32) -> (i32, i32, i32) {
    %c0_i32 = arith.constant 0 : i32
    %c0_i32_0 = arith.constant 0 : i32
    %c0_i32_1 = arith.constant 0 : i32
    return %arg0, %c0_i32, %c0_i32_0 : i32, i32, i32
  }
}

</mosaic_0001>

<sc_bundles>
// kernel: kernel.6.cloned.1.call-start
scs
__scs_entry_jumppad:
0x0: {  	(pc) =	sbr.rel $0x88, $3  }
0x1: {  	(tag) =	ssettag $0x0;
	lr =	simm.s32 $0x1  }
0x2: {  	[smem:$0x3F9A] =	sst lr;
	_ =	strace $0xD0000000  }
0x3: {  	_ = 	snop  }
0x4: {  	_ = 	snop  }
0x5: {  	_ = 	snop  }
0x6: {  	_ = 	snop  }
0x7: {  	_ = 	snop  }
__scs_overlays_trampoline_lowered:
0x8: {  	[smem:$0x3FA9] =	sst s0  }
0x9: {  	[smem:$0x3FAA] =	sst s1  }
0xa: {  	[smem:$0x3FAB] =	sst s2  }
0xb: {  	[smem:$0x3FAC] =	sst s3  }
0xc: {  	[smem:$0x3FAD] =	sst s4  }
0xd: {  	[smem:$0x3FAE] =	sst s5  }
0xe: {  	[smem:$0x3FAF] =	sst s6  }
0xf: {  	[smem:$0x3FB0] =	sst s7  }
0x10: {  	[smem:$0x3FB1] =	sst s8  }
0x11: {  	[smem:$0x3FB2] =	sst s9;
	s0 =	simm.s32 @!p0 $0x0  }
0x12: {  	s1 =	sld [smem:$0x3F98];
	s0 =	simm.s32 @p0 $0x1  }
0x13: {  	[smem:$0x3FB3] =	sst s0;
	s0 =	simm.s32 @!p1 $0x0  }
0x14: {  	s2 =	sld [smem:$0x3F97];
	s0 =	simm.s32 @p1 $0x1  }
0x15: {  	[smem:$0x3FB4] =	sst s0;
	s0 =	simm.s32 @!p2 $0x0  }
0x16: {  	s3 =	sld [smem:$0x3FDB];
	s0 =	simm.s32 @p2 $0x1  }
0x17: {  	s4 =	simm.s32 $0x1BF5;
	[smem:$0x3FB6] =	sst s0  }
0x18: {  	s0 =	sld [smem:$0x3F99];
	_ =	swait.ge [sflag:s4], $0x0  }
0x19: {  	s7 =	sld [smem:$0x3F9A]  }
0x1a: {  	s8 =	sadd.s32 $0xFFFFE003, lr  }
0x1b: {  	s9 =	sadd.s32 $0xFFFFFEF7, lr;
	s5 =	simm.s32 $0xFFFFFFFF;
	p2 =	slt.u32 s8, $0xFFFFF086  }
0x1c: {  	p1 =	slt.u32 s9, $0xF7A;
	s5 =	simm.s32 @!p2 $0x0  }
0x1d: {  	s5 =	simm.s32 @p1 $0x1;
	p0 =	seq.s32 s7, s2  }
0x1e: {  	s7 =	smul.u32 @!p0 $0xF7A, s2;
	p2 =	seq.s32 @!p0 s5, $0x0  }
0x1f: {  	s9 =	smul.u32 $0xF7A, s1;
	s8 =	simm.s32 @!p0 $0x1BF5;
	p2 =	por !p2, p0  }
0x20: {  	[sflag:s8] =	ssyncset.s32 @!p0 $0xFFFFF086;
	s6 =	sadd.s32 @!p0 s3, s7;
	s7 =	simm.s32 @!p0 $0x108  }
0x21: {  	s3 =	sadd.s32 s3, s9;
	s6 =	sadd.s32 @!p0 $0x88, s6;
	s7 =	simm.s32 @p2 $0x1082  }
0x22: {  	[simem:s7], [sflag:s8] =	dma.local @!p0 [hbm:s6], $0xF7A  }
0x23: {  	s9 =	sor.u32 $0xD0000000, s2;
	s6 =	simm.s32 $0x108;
	_ =	swait.ge @!p0 [sflag:s8], $0x0  }
0x24: {  	s3 =	sadd.s32 $0x88, s3;
	s6 =	simm.s32 @!p1 $0x1082;
	[sflag:s4] =	ssyncset.s32 $0xFFFFF086  }
0x25: {  	[simem:s6], [sflag:s4] =	dma.local [hbm:s3], $0xF7A  }
0x26: {  	[smem:$0x3F9A] =	sst s1;
	(tag) =	ssettag s2;
	_ =	strace s9  }
0x27: {  	s1 =	sld [smem:$0x3FAA]  }
0x28: {  	s2 =	sld [smem:$0x3FAB]  }
0x29: {  	s4 =	sld [smem:$0x3FAD]  }
0x2a: {  	p0 =	seq.s32 s5, $0x0;
	s5 =	sld [smem:$0x3FAE]  }
0x2b: {  	s6 =	sld [smem:$0x3FAF]  }
0x2c: {  	s7 =	sld [smem:$0x3FB0]  }
0x2d: {  	s3 =	simm.s32 $0x108;
	s8 =	sld [smem:$0x3FB1]  }
0x2e: {  	s3 =	simm.s32 @!p0 $0x1082;
	s9 =	sld [smem:$0x3FB2]  }
0x2f: {  	lr =	sadd.s32 s0, s3;
	s0 =	sld [smem:$0x3FA9]  }
0x30: {  	s3 =	sld [smem:$0x3FAC]  }
0x31: {  	[smem:$0x3FB5] =	sst s10  }
0x32: {  	s10 =	sld [smem:$0x3FB3];
	_ =	sdelay $0x3  }
0x33: {  	p0 =	seq.s32 s10, $0x1;
	s10 =	sld [smem:$0x3FB5];
	_ =	sdelay $0x3  }
0x34: {  	[smem:$0x3FB5] =	sst s10  }
0x35: {  	s10 =	sld [smem:$0x3FB4];
	_ =	sdelay $0x3  }
0x36: {  	p1 =	seq.s32 s10, $0x1;
	s10 =	sld [smem:$0x3FB5];
	_ =	sdelay $0x3  }
0x37: {  	[smem:$0x3FB5] =	sst s10  }
0x38: {  	s10 =	sld [smem:$0x3FB6]  }
0x39: {  	_ = 	snop;
	(pc) =	sbr.ind lr, $3  }
0x3a: {  	_ = 	snop  }
0x3b: {  	_ = 	snop  }
0x3c: {  	p2 =	seq.s32 s10, $0x1;
	s10 =	sld [smem:$0x3FB5]  }
0x3d: {  	_ =	shalt  }
0x3e: {  	_ =	shalt  }
0x3f: {  	_ =	shalt  }
0x40: {  	_ =	shalt  }
0x41: {  	_ =	shalt  }
0x42: {  	_ =	shalt  }
0x43: {  	_ =	shalt  }
0x44: {  	_ =	shalt  }
0x45: {  	_ =	shalt  }
0x46: {  	_ =	shalt  }
0x47: {  	_ =	shalt  }
0x48: {  	_ =	shalt  }
0x49: {  	_ =	shalt  }
0x4a: {  	_ =	shalt  }
0x4b: {  	_ =	shalt  }
0x4c: {  	_ =	shalt  }
0x4d: {  	_ =	shalt  }
0x4e: {  	_ =	shalt  }
0x4f: {  	_ =	shalt  }
0x50: {  	_ =	shalt  }
0x51: {  	_ =	shalt  }
0x52: {  	_ =	shalt  }
0x53: {  	_ =	shalt  }
0x54: {  	_ =	shalt  }
0x55: {  	_ =	shalt  }
0x56: {  	_ =	shalt  }
0x57: {  	_ =	shalt  }
0x58: {  	_ =	shalt  }
0x59: {  	_ =	shalt  }
0x5a: {  	_ =	shalt  }
0x5b: {  	_ =	shalt  }
0x5c: {  	_ =	shalt  }
0x5d: {  	_ =	shalt  }
0x5e: {  	_ =	shalt  }
0x5f: {  	_ =	shalt  }
0x60: {  	_ =	shalt  }
0x61: {  	_ =	shalt  }
0x62: {  	_ =	shalt  }
0x63: {  	_ =	shalt  }
0x64: {  	_ =	shalt  }
0x65: {  	_ =	shalt  }
0x66: {  	_ =	shalt  }
0x67: {  	_ =	shalt  }
0x68: {  	_ =	shalt  }
0x69: {  	_ =	shalt  }
0x6a: {  	_ =	shalt  }
0x6b: {  	_ =	shalt  }
0x6c: {  	_ =	shalt  }
0x6d: {  	_ =	shalt  }
0x6e: {  	_ =	shalt  }
0x6f: {  	_ =	shalt  }
0x70: {  	_ =	shalt  }
0x71: {  	_ =	shalt  }
0x72: {  	_ =	shalt  }
0x73: {  	_ =	shalt  }
0x74: {  	_ =	shalt  }
0x75: {  	_ =	shalt  }
0x76: {  	_ =	shalt  }
0x77: {  	_ =	shalt  }
0x78: {  	_ =	shalt  }
0x79: {  	_ =	shalt  }
0x7a: {  	_ =	shalt  }
0x7b: {  	_ =	shalt  }
0x7c: {  	_ =	shalt  }
0x7d: {  	_ =	shalt  }
0x7e: {  	_ =	shalt  }
0x7f: {  	_ =	shalt  }
0x80: {  	_ =	shalt  }
0x81: {  	_ =	shalt  }
0x82: {  	_ =	shalt  }
0x83: {  	_ =	shalt  }
0x84: {  	_ =	shalt  }
0x85: {  	_ =	shalt  }
0x86: {  	_ =	shalt  }
0x87: {  	_ =	shalt  }
.Lfunc_end0:
.L_simem_size_0:
called_computation_lowered:
.L_overlay_start_0:
0x88: {  	s2 =	sld [smem:$0x3FD9]  }
0x89: {  	s3 =	sld [smem:$0x3FFE];
	_ =	sdelay $0x1  }
0x8a: {  	s1 =	srdreg.scid  }
0x8b: {  	s0 =	sand.u32 $0x1, s1  }
0x8c: {  	s17 =	sshll.u32 s0, $0xA;
	s2 =	sadd.s32 s3, s2  }
0x8d: {  	s2 =	sadd.s32 s2, s17  }
0x8e: {  	[smem:$0x3FC1] =	sst s2  }
0x8f: {  	_ = 	snop  }
0x90: {  	s18 =	sld [smem:$0x3FC7]  }
0x91: {  	s4 =	sld [smem:$0x3FD0];
	(tm) =	ssettm $0x1  }
0x92: {  	s19 =	sld [smem:$0x3FFB];
	_ =	sdelay $0x3  }
0x93: {  	_ =	strace s19  }
0x94: {  	s2 =	sld [smem:$0x3FFC];
	_ =	sdelay $0x3  }
0x95: {  	_ =	strace s2  }
0x96: {  	s2 =	sld [smem:$0x3FFD];
	_ =	sdelay $0x3  }
0x97: {  	_ =	strace s2  }
0x98: {  	_ =	strace $0x8FFFFFFF  }
0x99: {  	s20 =	sld [smem:$0x3FDB];
	_ =	sdelay $0x1  }
0x9a: {  	s5 =	simm.s32 $_scs_section_size  }
0x9b: {  	s6 =	simm.s32 $_size__tile_overlayer_lowered;
	s7 =	simm.s32 $_tile_overlayer_lowered  }
0x9c: {  	s8 =	simm.s32 $0x1BFF;
	s21 =	sshll.u32 s7, $0x1;
	s5 =	sadd.s32 s5, s20  }
0x9d: {  	s22 =	simm.s32 $0x0;
	s6 =	sshll.u32 s6, $0x1;
	s7 =	sadd.s32 s21, s5  }
0x9e: {  	[timem:s22], [sflag:s8] =	dma.local [hbm:s7], s6  }
0x9f: {  	_ =	swait.ge [sflag:s8], s6  }
0xa0: {  	s6 =	ssub.s32 $0x0, s6;
	[sflag:s8] =	ssyncset.done $0x0  }
0xa1: {  	[sflag:s8] =	ssyncadd.s32 s6;
	_ =	sdelay $0x1  }
0xa2: {  	s23 =	simm.s32 $0x1B8B  }
0xa3: {  	_ =	swait.ge [sflag:s23], $0x1  }
0xa4: {  	[sflag:s23] =	ssyncset.done $0x0  }
0xa5: {  	[sflag:s23] =	ssyncadd.s32 $0xFFFFFFFF  }
0xa6: {  	s6 =	sld [smem:$0x0]  }
0xa7: {  	s7 =	sand.u32 $0xFFFFFFFE, s1  }
0xa8: {  	p0 =	sne.s32 s1, s7  }
0xa9: {  	s7 =	sshll.u32 @p0 s7, $0xE  }
0xaa: {  	s7 =	sadd.s32 @p0 $0x11B8D, s7;
	s8 =	sshll.u32 @p0 s6, $0x11  }
0xab: {  	s7 =	sor.u32 @p0 s8, s7  }
0xac: {  	[sflag:s7] =	ssyncadd.remote.s32 @p0 $0x1;
	_ =	sdelay $0x1  }
0xad: {  	s7 =	simm.s32 @p0 $0x1B8D  }
0xae: {  	_ =	swait.eq @p0 [sflag:s7], $0x1  }
0xaf: {  	[sflag:s7] =	ssyncadd.s32 @p0 $0xFFFFFFFF  }
0xb0: {  	s8 =	sshll.u32 @!p0 s1, $0xE  }
0xb1: {  	s8 =	sor.u32 @!p0 $0x4000, s8;
	s7 =	simm.s32 @!p0 $0x1B8D  }
0xb2: {  	s6 =	sshll.u32 @!p0 s6, $0x11;
	s8 =	sadd.s32 @!p0 $0x11B8D, s8;
	_ =	swait.eq @!p0 [sflag:s7], $0x1  }
0xb3: {  	s6 =	sor.u32 @!p0 s6, s8;
	[sflag:s7] =	ssyncadd.s32 @!p0 $0xFFFFFFFF  }
0xb4: {  	s25 =	simm.s32 $0x1B8E;
	s24 =	sld [smem:$0x3FFE];
	[sflag:s6] =	ssyncadd.remote.s32 @!p0 $0x1  }
0xb5: {  	s26 =	simm.s32 $execute0_lowered;
	[smem:$0x3FD2] =	sst s25  }
0xb6: {  	s7 =	sshll.u32 s26, $0x1;
	_ =	strace $0x80000049;
	[dreg:$0x1] =	wrdreg $0xFFFFFFFF  }
0xb7: {  	s28 =	simm.s32 $_size_execute0_lowered;
	s5 =	sadd.s32 s5, s7;
	[dreg:$0x0] =	wrdreg $0x0  }
0xb8: {  	s7 =	sshll.u32 s28, $0x1;
	[dreg:$0x2] =	wrdreg s5  }
0xb9: {  	[dreg:$0x3] =	wrdreg s7  }
0xba: {  	[dreg:$0x4] =	wrdreg $0xC0  }
0xbb: {  	_ =	task [dreg:s22], $0x5FFFF  }
0xbc: {  	[dreg:$0x1] =	wrdreg $0xFFFFFFFF  }
0xbd: {  	[dreg:$0x0] =	wrdreg $0x60  }
0xbe: {  	[dreg:$0x2] =	wrdreg s24  }
0xbf: {  	[dreg:$0x3] =	wrdreg s18  }
0xc0: {  	[dreg:$0x4] =	wrdreg s4  }
0xc1: {  	[dreg:$0x5] =	wrdreg $0x9  }
0xc2: {  	_ =	task.clear_ibuf [dreg:s22], $0x6FFFF;
	_ =	strace $0x90000049  }
0xc3: {  	s29 =	simm.s32 $0x9;
	_ =	strace $0x8000004B  }
0xc4: {  	_ =	swait.ge [sflag:s29], $0x1  }
0xc5: {  	[sflag:s29] =	ssyncadd.s32 $0xFFFFFFFF  }
0xc6: {  	_ =	strace $0x9000004B  }
0xc7: {  	_ =	sfence  }
0xc8: {  	s30 =	sld [smem:$0x0];
	_ =	sdelay $0x2  }
0xc9: {  	s31 =	sshll.u32 s1, $0xD;
	s1 =	sshrl.u32 s1, $0x2  }
0xca: {  	s4 =	sand.u32 $0x4000, s31;
	s1 =	sadd.s32 s1, s30  }
0xcb: {  	s0 =	sor.u32 s4, s0;
	s1 =	sshll.u32 s1, $0x11  }
0xcc: {  	s0 =	sor.u32 s1, s0  }
0xcd: {  	s0 =	sadd.s32 $0x8F2B, s0  }
0xce: {  	[sflag:s0] =	ssyncadd.remote.s32 $0x1  }
0xcf: {  	_ =	sfence.sel $0xFFFF  }
0xd0: {  	[dreg:$0x0] =	wrdreg $0xFFFFFFFF;
	(pc) =	sbr.abs _section_cstart, $3  }
0xd1: {  	[dreg:$0x1] =	wrdreg $0xFFFFFFFF  }
0xd2: {  	_ =	task.clear_ibuf [dreg:s22], $0x2FFFF;
	_ =	strace $0x9FFFFFFF  }
0xd3: {  	(tm) =	ssettm $0x7FFFFFFF  }
tec
execute0_lowered:
.L_overlay_start_1:
0x0: {  	(tag) =	ssettag $0x1  }
0x1: {  	s4 =	rddreg [dreg:$0x0]  }
0x2: {  	s1 =	srdreg.scid;
	s2 =	rddreg [dreg:$0x1]  }
0x3: {  	s0 =	stileid.u32;
	s6 =	rddreg [dreg:$0x2]  }
0x4: {  	s3 =	simm.s32 $0x0;
	s11 =	simm.s32 $0x4;
	s12 =	simm.s32 $0x5  }
0x5: {  	s13 =	simm.s32 $0x6;
	s14 =	simm.s32 $0x0;
	s5 =	sand.u32 $0x1, s1  }
0x6: {  	s29 =	sshll.u32 s0, $0x1;
	s8 =	smul.u32 $0xC8000, s0;
	[smem:$0x7FF] =	sst s3  }
0x7: {  	s1 =	sor.u32 s5, s29;
	s9 =	ssub.s32 $0x2, s5;
	s5 =	smul.u32 $0x64000, s5  }
0x8: {  	s7 =	smul.u32 $0x190, s1;
	s1 =	rddreg [dreg:$0x3];
	s10 =	sshrl.u32 s9, $0x1  }
0x9: {  	_ =	strace $0x8000004A;
	s30 =	ssub.s32 s9, s10;
	s8 =	sadd.s32 s5, s8  }
0xa: {  	s9 =	simm.s32 $0xC80;
	s10 =	simm.s32 $0x4C80;
	s4 =	sadd.s32 s7, s4  }
0xb: {  	s5 =	smax.u32 s30, $0x1;
	s31 =	sshrl.u32 s8, $0x3;
	s7 =	simm.s32 $0x7  }
0xc: {  	s8 =	simm.s32 $0x80;
	s4 =	sadd.s32 $0x194800, s4;
	s6 =	sadd.s32 s31, s6  }
.LBB2_1:
0xd: {  	[tilespmem:s3], [sflag:$0x7] =	stream.linear.gather [hbm4b:s4+s3], $0xC80, $0x38;
	[tilespmem:$0xCC80] =	vst v63  }
0xe: {  	s15 =	smul.u32 $0xAB, s3  }
0xf: {  	p1 =	por $0x0, $0x0;
	_ =	swait.ge [sflag:s7], $0xC80  }
0x10: {  	s16 =	simm.s32 $0x2;
	[sflag:s7] =	ssyncset.done $0x0;
	s15 =	sshrl.u32 s15, $0x9  }
0x11: {  	s16 =	smul.u32 @!p1 $0xAB, s16;
	[sflag:s7] =	ssyncadd.s32 $0xFFFFF380;
	s15 =	sand.u32 $0x7F, s15  }
0x12: {  	[tilespmem:s9], [sflag:$0x1] =	stream.indirect.gather [hbm4b:s2+s8], $0x80, s3, s8, $0xb8;
	[tilespmem:$0xCC80] =	vst v63  }
0x13: {  	s18 =	simm.s32 $0x100;
	s17 =	simm.s32 $0x1;
	s15 =	smul.u32 $0x3, s15  }
0x14: {  	[tilespmem:s10], [sflag:$0x2] =	stream.indirect.gather [hbm4b:s2+s8], $0x80, s8, s8, $0xb8;
	[tilespmem:$0xCC80] =	vst v63  }
0x15: {  	s19 =	simm.s32 $0x2;
	p0 =	por p1, p1;
	s15 =	ssub.s32 $0x0, s15  }
0x16: {  	p1 =	por @!p1 $0x1, $0x1;
	s20 =	sand.u32 $0xFF, s15;
	s15 =	sshrl.u32 @!p0 s16, $0x9  }
0x17: {  	s24 =	smul.u32 $0xAB, s17;
	s21 =	sadd.s32 $0x1, s20;
	s15 =	sand.u32 @!p0 $0x7F, s15  }
0x18: {  	p2 =	por p1, p0;
	s23 =	smul.u32 @!p0 $0x3, s15;
	_ =	swait.ge [sflag:s21], $0x4000  }
0x19: {  	s22 =	sshll.u32 s20, $0xE;
	s20 =	sor.u32 $0x4, s20;
	[sflag:s21] =	ssyncset.done $0x0  }
0x1a: {  	s22 =	sor.u32 $0xC80, s22;
	s23 =	ssub.s32 @!p0 $0x2, s23;
	[sflag:s21] =	ssyncadd.s32 $0xFFFFC000  }
0x1b: {  	[hbm4b:s6+s3] =	stream.linear.scatter [tilespmem:s22], [sflag:s20], $0x4000, $0x38;
	[tilespmem:$0xCC80] =	vst v63  }
0x1c: {  	s16 =	sadd.s32 $0x800, s6;
	s15 =	simm.s32 $0x180;
	s23 =	sand.u32 @!p0 $0xFF, s23  }
0x1d: {  	s20 =	simm.s32 @!p0 $0x80;
	s21 =	sadd.s32 @!p2 $0x4, s23;
	s22 =	sshll.u32 @!p0 s23, $0xE  }
.LBB2_2:
0x1e: {  	p3 =	sgt.u32 s17, $0x16;
	_ =	swait.ge @!p2 [sflag:s21], $0x4000  }
0x1f: {  	s23 =	sadd.s32 @!p0 $0x1, s23;
	s25 =	smov.u32 s19;
	s26 =	smov.u32 s16  }
0x20: {  	s28 =	sadd.s32 $0x2, s17;
	s24 =	sshrl.u32 s24, $0x9;
	[sflag:s21] =	ssyncset.done @!p2 $0x0  }
0x21: {  	s24 =	sand.u32 $0x7F, s24;
	[sflag:s21] =	ssyncadd.s32 @!p2 $0xFFFFC000;
	s21 =	sor.u32 @!p0 $0xC80, s22  }
0x22: {  	[tilespmem:s21], [sflag:s23] =	stream.indirect.gather @!p0 [hbm4b:s2+s20], $0x80, s18, s20, $0xb8;
	[tilespmem:$0xCC80] =	vst v63  }
0x23: {  	s19 =	sadd.s32 $0x1, s19;
	p2 =	seq.s32 @!p3 s17, $0x0;
	s20 =	smul.u32 $0x3, s24  }
0x24: {  	p1 =	sne.s32 s19, $0x19;
	s21 =	smul.u32 @!p3 $0xAB, s28;
	s18 =	smov.u32 s15  }
0x25: {  	p0 =	por p3, p3;
	s20 =	ssub.s32 s17, s20;
	s17 =	smov.u32 s25  }
0x26: {  	s16 =	sadd.s32 $0x800, s16;
	s21 =	sshrl.u32 @!p0 s21, $0x9;
	s20 =	sand.u32 $0xFF, s20  }
0x27: {  	s21 =	sand.u32 @!p0 $0x7F, s21;
	s22 =	sadd.s32 $0x1, s20;
	s23 =	sshll.u32 s20, $0xE  }
0x28: {  	s15 =	sadd.s32 $0x80, s15;
	s21 =	smul.u32 @!p0 $0x3, s21;
	s24 =	sor.u32 $0x4, s20  }
.Ltmp0:
0x29: {  	s20 =	simm.s32 @!p0 $0x80;
	_ =	swait.ge [sflag:s22], $0x4000;
	(pc) =	sbr.rel @p1 .LBB2_2-.Ltmp0, $4  }
0x2a: {  	s25 =	sor.u32 $0xC80, s23;
	s21 =	ssub.s32 @!p0 s28, s21;
	[sflag:s22] =	ssyncset.done $0x0  }
0x2b: {  	p2 =	por p2, p0;
	s23 =	sand.u32 @!p0 $0xFF, s21;
	[sflag:s22] =	ssyncadd.s32 $0xFFFFC000  }
0x2c: {  	[hbm4b:s26+s3] =	stream.linear.scatter [tilespmem:s25], [sflag:s24], $0x4000, $0x38;
	[tilespmem:$0xCC80] =	vst v63  }
0x2d: {  	s21 =	sadd.s32 @!p2 $0x4, s23;
	s22 =	sshll.u32 @!p0 s23, $0xE;
	s24 =	smul.u32 $0xAB, s17  }
0x2e: {  	_ =	swait.ge @!p2 [sflag:s21], $0x4000  }
0x2f: {  	s19 =	sadd.s32 @!p0 $0x1, s23;
	s28 =	sshrl.u32 s24, $0x9;
	[sflag:s21] =	ssyncset.done @!p2 $0x0  }
0x30: {  	s23 =	sand.u32 $0x7F, s28;
	[sflag:s21] =	ssyncadd.s32 @!p2 $0xFFFFC000;
	s21 =	sor.u32 @!p0 $0xC80, s22  }
0x31: {  	[tilespmem:s21], [sflag:s19] =	stream.indirect.gather @!p0 [hbm4b:s2+s20], $0x80, s18, s20, $0xb8;
	[tilespmem:$0xCC80] =	vst v63  }
0x32: {  	p1 =	sgt.u32 s17, $0x16;
	s18 =	sadd.s32 $0x2, s17;
	s29 =	smul.u32 $0x3, s23  }
0x33: {  	s20 =	smul.u32 @!p1 $0xAB, s18  }
0x34: {  	p0 =	por p1, p1  }
0x35: {  	s19 =	ssub.s32 s17, s29;
	s20 =	sshrl.u32 @!p0 s20, $0x9  }
0x36: {  	s19 =	sand.u32 $0xFF, s19;
	s20 =	sand.u32 @!p0 $0x7F, s20  }
0x37: {  	p1 =	seq.s32 @!p1 s17, $0x0;
	s30 =	sadd.s32 $0x1, s19;
	s20 =	smul.u32 @!p0 $0x3, s20  }
0x38: {  	p1 =	por p1, p0;
	s31 =	sshll.u32 s19, $0xE;
	_ =	swait.ge [sflag:s30], $0x4000  }
0x39: {  	s19 =	sor.u32 $0x4, s19;
	[sflag:s30] =	ssyncset.done $0x0;
	s18 =	ssub.s32 @!p0 s18, s20  }
0x3a: {  	s21 =	sor.u32 $0xC80, s31;
	[sflag:s30] =	ssyncadd.s32 $0xFFFFC000;
	s17 =	sand.u32 @!p0 $0xFF, s18  }
0x3b: {  	[hbm4b:s16+s3] =	stream.linear.scatter [tilespmem:s21], [sflag:s19], $0x4000, $0x38;
	[tilespmem:$0xCC80] =	vst v63  }
0x3c: {  	s16 =	sadd.s32 @!p1 $0x4, s17  }
0x3d: {  	_ =	swait.ge @!p1 [sflag:s16], $0x4000  }
0x3e: {  	s18 =	simm.s32 @!p0 $0x80;
	s19 =	sshll.u32 @!p0 s17, $0xE;
	[sflag:s16] =	ssyncset.done @!p1 $0x0  }
0x3f: {  	s17 =	sadd.s32 @!p0 $0x1, s17;
	[sflag:s16] =	ssyncadd.s32 @!p1 $0xFFFFC000;
	s16 =	sor.u32 @!p0 $0xC80, s19  }
0x40: {  	[tilespmem:s16], [sflag:s17] =	stream.indirect.gather @!p0 [hbm4b:s2+s18], $0x80, s15, s18, $0xb8;
	[tilespmem:$0xCC80] =	vst v63  }
0x41: {  	_ =	swait.ge [sflag:s11], $0x4000  }
0x42: {  	[sflag:s11] =	ssyncset.done $0x0  }
0x43: {  	s14 =	sadd.s32 $0x1, s14;
	[sflag:s11] =	ssyncadd.s32 $0xFFFFC000  }
0x44: {  	p0 =	sne.s32 s14, s5;
	_ =	swait.ge [sflag:s12], $0x4000  }
.Ltmp1:
0x45: {  	[sflag:s12] =	ssyncset.done $0x0;
	(pc) =	sbr.rel @p0 .LBB2_1-.Ltmp1, $4  }
0x46: {  	[sflag:s12] =	ssyncadd.s32 $0xFFFFC000  }
0x47: {  	_ =	swait.ge [sflag:s13], $0x4000  }
0x48: {  	[sflag:s13] =	ssyncset.done $0x0  }
0x49: {  	[sflag:s13] =	ssyncadd.s32 $0xFFFFC000  }
0x4a: {  	_ =	sfence.sel $0x180000  }
0x4b: {  	[bflag:$0x0] =	sbarrier.arrive $0xFFFF  }
0x4c: {  	p0 =	sne.s32 s0, $0x0;
	_ =	strace $0x9000004A  }
0x4d: {  	s0 =	sadd.s32 @!p0 $0x100000, s1;
	[bflag:$0x2] =	sbarrier.arrive $0xFFFF  }
0x4e: {  	[sflag:s0] =	ssyncadd.tile.s32 @!p0 $0x1;
	_ =	shalt  }
.Lfunc_end2:
_tile_overlayer_lowered:
.L_overlay_start_2:
0x4f: {  	(tag) =	ssettag $0x2  }
0x50: {  	s0 =	rddreg [dreg:$0x0];
	s2 =	stileid.u32  }
0x51: {  	s1 =	rddreg [dreg:$0x1];
	p0 =	sne.s32 s2, $0x0  }
0x52: {  	s3 =	rddreg [dreg:$0x2];
	[bflag:$0x3] =	sbarrier.arrive $0xFFFF;
	s2 =	simm.s32 @!p0 $0x1C07  }
0x53: {  	[timem:s3], [sflag:s2] =	dma.local @!p0 [hbm:s0], s1  }
0x54: {  	s0 =	simm.s32 @!p0 $0x7  }
0x55: {  	_ =	swait.ge @!p0 [sflag:s0], s1  }
0x56: {  	s1 =	ssub.s32 @!p0 $0x0, s1;
	[sflag:s0] =	ssyncset.done @!p0 $0x0  }
0x57: {  	[sflag:s0] =	ssyncadd.s32 @!p0 s1  }
0x58: {  	[bflag:$0x3] =	sbarrier.arrive $0xFFFF  }
0x59: {  	_ =	shalt  }

// kernel: kernel.9.cloned.1.call-start
scs
__scs_entry_jumppad:
0x0: {  	(pc) =	sbr.rel $0x88, $3  }
0x1: {  	(tag) =	ssettag $0x0;
	lr =	simm.s32 $0x1  }
0x2: {  	[smem:$0x3F9A] =	sst lr;
	_ =	strace $0xD0000000  }
0x3: {  	_ = 	snop  }
0x4: {  	_ = 	snop  }
0x5: {  	_ = 	snop  }
0x6: {  	_ = 	snop  }
0x7: {  	_ = 	snop  }
__scs_overlays_trampoline_lowered:
0x8: {  	[smem:$0x3FA9] =	sst s0  }
0x9: {  	[smem:$0x3FAA] =	sst s1  }
0xa: {  	[smem:$0x3FAB] =	sst s2  }
0xb: {  	[smem:$0x3FAC] =	sst s3  }
0xc: {  	[smem:$0x3FAD] =	sst s4  }
0xd: {  	[smem:$0x3FAE] =	sst s5  }
0xe: {  	[smem:$0x3FAF] =	sst s6  }
0xf: {  	[smem:$0x3FB0] =	sst s7  }
0x10: {  	[smem:$0x3FB1] =	sst s8  }
0x11: {  	[smem:$0x3FB2] =	sst s9;
	s0 =	simm.s32 @!p0 $0x0  }
0x12: {  	s1 =	sld [smem:$0x3F98];
	s0 =	simm.s32 @p0 $0x1  }
0x13: {  	[smem:$0x3FB3] =	sst s0;
	s0 =	simm.s32 @!p1 $0x0  }
0x14: {  	s2 =	sld [smem:$0x3F97];
	s0 =	simm.s32 @p1 $0x1  }
0x15: {  	[smem:$0x3FB4] =	sst s0;
	s0 =	simm.s32 @!p2 $0x0  }
0x16: {  	s3 =	sld [smem:$0x3FDB];
	s0 =	simm.s32 @p2 $0x1  }
0x17: {  	s4 =	simm.s32 $0x1BF5;
	[smem:$0x3FB6] =	sst s0  }
0x18: {  	s0 =	sld [smem:$0x3F99];
	_ =	swait.ge [sflag:s4], $0x0  }
0x19: {  	s7 =	sld [smem:$0x3F9A]  }
0x1a: {  	s8 =	sadd.s32 $0xFFFFE003, lr  }
0x1b: {  	s9 =	sadd.s32 $0xFFFFFEF7, lr;
	s5 =	simm.s32 $0xFFFFFFFF;
	p2 =	slt.u32 s8, $0xFFFFF086  }
0x1c: {  	p1 =	slt.u32 s9, $0xF7A;
	s5 =	simm.s32 @!p2 $0x0  }
0x1d: {  	s5 =	simm.s32 @p1 $0x1;
	p0 =	seq.s32 s7, s2  }
0x1e: {  	s7 =	smul.u32 @!p0 $0xF7A, s2;
	p2 =	seq.s32 @!p0 s5, $0x0  }
0x1f: {  	s9 =	smul.u32 $0xF7A, s1;
	s8 =	simm.s32 @!p0 $0x1BF5;
	p2 =	por !p2, p0  }
0x20: {  	[sflag:s8] =	ssyncset.s32 @!p0 $0xFFFFF086;
	s6 =	sadd.s32 @!p0 s3, s7;
	s7 =	simm.s32 @!p0 $0x108  }
0x21: {  	s3 =	sadd.s32 s3, s9;
	s6 =	sadd.s32 @!p0 $0x88, s6;
	s7 =	simm.s32 @p2 $0x1082  }
0x22: {  	[simem:s7], [sflag:s8] =	dma.local @!p0 [hbm:s6], $0xF7A  }
0x23: {  	s9 =	sor.u32 $0xD0000000, s2;
	s6 =	simm.s32 $0x108;
	_ =	swait.ge @!p0 [sflag:s8], $0x0  }
0x24: {  	s3 =	sadd.s32 $0x88, s3;
	s6 =	simm.s32 @!p1 $0x1082;
	[sflag:s4] =	ssyncset.s32 $0xFFFFF086  }
0x25: {  	[simem:s6], [sflag:s4] =	dma.local [hbm:s3], $0xF7A  }
0x26: {  	[smem:$0x3F9A] =	sst s1;
	(tag) =	ssettag s2;
	_ =	strace s9  }
0x27: {  	s1 =	sld [smem:$0x3FAA]  }
0x28: {  	s2 =	sld [smem:$0x3FAB]  }
0x29: {  	s4 =	sld [smem:$0x3FAD]  }
0x2a: {  	p0 =	seq.s32 s5, $0x0;
	s5 =	sld [smem:$0x3FAE]  }
0x2b: {  	s6 =	sld [smem:$0x3FAF]  }
0x2c: {  	s7 =	sld [smem:$0x3FB0]  }
0x2d: {  	s3 =	simm.s32 $0x108;
	s8 =	sld [smem:$0x3FB1]  }
0x2e: {  	s3 =	simm.s32 @!p0 $0x1082;
	s9 =	sld [smem:$0x3FB2]  }
0x2f: {  	lr =	sadd.s32 s0, s3;
	s0 =	sld [smem:$0x3FA9]  }
0x30: {  	s3 =	sld [smem:$0x3FAC]  }
0x31: {  	[smem:$0x3FB5] =	sst s10  }
0x32: {  	s10 =	sld [smem:$0x3FB3];
	_ =	sdelay $0x3  }
0x33: {  	p0 =	seq.s32 s10, $0x1;
	s10 =	sld [smem:$0x3FB5];
	_ =	sdelay $0x3  }
0x34: {  	[smem:$0x3FB5] =	sst s10  }
0x35: {  	s10 =	sld [smem:$0x3FB4];
	_ =	sdelay $0x3  }
0x36: {  	p1 =	seq.s32 s10, $0x1;
	s10 =	sld [smem:$0x3FB5];
	_ =	sdelay $0x3  }
0x37: {  	[smem:$0x3FB5] =	sst s10  }
0x38: {  	s10 =	sld [smem:$0x3FB6]  }
0x39: {  	_ = 	snop;
	(pc) =	sbr.ind lr, $3  }
0x3a: {  	_ = 	snop  }
0x3b: {  	_ = 	snop  }
0x3c: {  	p2 =	seq.s32 s10, $0x1;
	s10 =	sld [smem:$0x3FB5]  }
0x3d: {  	_ =	shalt  }
0x3e: {  	_ =	shalt  }
0x3f: {  	_ =	shalt  }
0x40: {  	_ =	shalt  }
0x41: {  	_ =	shalt  }
0x42: {  	_ =	shalt  }
0x43: {  	_ =	shalt  }
0x44: {  	_ =	shalt  }
0x45: {  	_ =	shalt  }
0x46: {  	_ =	shalt  }
0x47: {  	_ =	shalt  }
0x48: {  	_ =	shalt  }
0x49: {  	_ =	shalt  }
0x4a: {  	_ =	shalt  }
0x4b: {  	_ =	shalt  }
0x4c: {  	_ =	shalt  }
0x4d: {  	_ =	shalt  }
0x4e: {  	_ =	shalt  }
0x4f: {  	_ =	shalt  }
0x50: {  	_ =	shalt  }
0x51: {  	_ =	shalt  }
0x52: {  	_ =	shalt  }
0x53: {  	_ =	shalt  }
0x54: {  	_ =	shalt  }
0x55: {  	_ =	shalt  }
0x56: {  	_ =	shalt  }
0x57: {  	_ =	shalt  }
0x58: {  	_ =	shalt  }
0x59: {  	_ =	shalt  }
0x5a: {  	_ =	shalt  }
0x5b: {  	_ =	shalt  }
0x5c: {  	_ =	shalt  }
0x5d: {  	_ =	shalt  }
0x5e: {  	_ =	shalt  }
0x5f: {  	_ =	shalt  }
0x60: {  	_ =	shalt  }
0x61: {  	_ =	shalt  }
0x62: {  	_ =	shalt  }
0x63: {  	_ =	shalt  }
0x64: {  	_ =	shalt  }
0x65: {  	_ =	shalt  }
0x66: {  	_ =	shalt  }
0x67: {  	_ =	shalt  }
0x68: {  	_ =	shalt  }
0x69: {  	_ =	shalt  }
0x6a: {  	_ =	shalt  }
0x6b: {  	_ =	shalt  }
0x6c: {  	_ =	shalt  }
0x6d: {  	_ =	shalt  }
0x6e: {  	_ =	shalt  }
0x6f: {  	_ =	shalt  }
0x70: {  	_ =	shalt  }
0x71: {  	_ =	shalt  }
0x72: {  	_ =	shalt  }
0x73: {  	_ =	shalt  }
0x74: {  	_ =	shalt  }
0x75: {  	_ =	shalt  }
0x76: {  	_ =	shalt  }
0x77: {  	_ =	shalt  }
0x78: {  	_ =	shalt  }
0x79: {  	_ =	shalt  }
0x7a: {  	_ =	shalt  }
0x7b: {  	_ =	shalt  }
0x7c: {  	_ =	shalt  }
0x7d: {  	_ =	shalt  }
0x7e: {  	_ =	shalt  }
0x7f: {  	_ =	shalt  }
0x80: {  	_ =	shalt  }
0x81: {  	_ =	shalt  }
0x82: {  	_ =	shalt  }
0x83: {  	_ =	shalt  }
0x84: {  	_ =	shalt  }
0x85: {  	_ =	shalt  }
0x86: {  	_ =	shalt  }
0x87: {  	_ =	shalt  }
.Lfunc_end0:
.L_simem_size_0:
called_computation.1_lowered:
.L_overlay_start_0:
0x88: {  	s2 =	sld [smem:$0x3FD9]  }
0x89: {  	s3 =	sld [smem:$0x3FFE];
	_ =	sdelay $0x1  }
0x8a: {  	s1 =	srdreg.scid  }
0x8b: {  	s0 =	sand.u32 $0x1, s1  }
0x8c: {  	s17 =	sshll.u32 s0, $0xA;
	s2 =	sadd.s32 s3, s2  }
0x8d: {  	s2 =	sadd.s32 s2, s17  }
0x8e: {  	[smem:$0x3FC1] =	sst s2  }
0x8f: {  	_ = 	snop  }
0x90: {  	s2 =	sld [smem:$0x3FC7];
	(tm) =	ssettm $0x1  }
0x91: {  	s18 =	sld [smem:$0x3FFB];
	_ =	sdelay $0x3  }
0x92: {  	_ =	strace s18  }
0x93: {  	s3 =	sld [smem:$0x3FFC];
	_ =	sdelay $0x3  }
0x94: {  	_ =	strace s3  }
0x95: {  	s3 =	sld [smem:$0x3FFD];
	_ =	sdelay $0x3  }
0x96: {  	_ =	strace s3  }
0x97: {  	_ =	strace $0x8FFFFFFF  }
0x98: {  	s19 =	sld [smem:$0x3FDB];
	_ =	sdelay $0x1  }
0x99: {  	s4 =	simm.s32 $_scs_section_size  }
0x9a: {  	s5 =	simm.s32 $_size__tile_overlayer_lowered;
	s6 =	simm.s32 $_tile_overlayer_lowered  }
0x9b: {  	s22 =	simm.s32 $0x1BFF;
	s21 =	sshll.u32 s6, $0x1;
	s3 =	sadd.s32 s4, s19  }
0x9c: {  	s7 =	simm.s32 $0x0;
	s20 =	sshll.u32 s5, $0x1;
	s5 =	sadd.s32 s21, s3  }
0x9d: {  	[timem:s7], [sflag:s22] =	dma.local [hbm:s5], s20  }
0x9e: {  	_ =	swait.ge [sflag:s22], s20  }
0x9f: {  	s4 =	ssub.s32 $0x0, s20;
	[sflag:s22] =	ssyncset.done $0x0  }
0xa0: {  	[sflag:s22] =	ssyncadd.s32 s4;
	_ =	sdelay $0x1  }
0xa1: {  	s23 =	simm.s32 $0x1B8B  }
0xa2: {  	_ =	swait.ge [sflag:s23], $0x1  }
0xa3: {  	[sflag:s23] =	ssyncset.done $0x0  }
0xa4: {  	s25 =	simm.s32 $0x1B8E;
	s24 =	sld [smem:$0x3FFE];
	[sflag:s23] =	ssyncadd.s32 $0xFFFFFFFF  }
0xa5: {  	s26 =	simm.s32 $execute0_lowered;
	[smem:$0x3FD2] =	sst s25  }
0xa6: {  	s5 =	sshll.u32 s26, $0x1;
	_ =	strace $0x80000046;
	[dreg:$0x1] =	wrdreg $0xFFFFFFFF  }
0xa7: {  	s28 =	simm.s32 $_size_execute0_lowered;
	s3 =	sadd.s32 s3, s5;
	[dreg:$0x0] =	wrdreg $0x0  }
0xa8: {  	s5 =	sshll.u32 s28, $0x1;
	[dreg:$0x2] =	wrdreg s3  }
0xa9: {  	[dreg:$0x3] =	wrdreg s5  }
0xaa: {  	[dreg:$0x4] =	wrdreg $0xC0  }
0xab: {  	_ =	task [dreg:s7], $0x5FFFF  }
0xac: {  	[dreg:$0x1] =	wrdreg $0xFFFFFFFF  }
0xad: {  	[dreg:$0x0] =	wrdreg $0x60  }
0xae: {  	[dreg:$0x2] =	wrdreg s24  }
0xaf: {  	[dreg:$0x3] =	wrdreg s2  }
0xb0: {  	[dreg:$0x4] =	wrdreg $0xA  }
0xb1: {  	_ =	task.clear_ibuf [dreg:s7], $0x5FFFF;
	_ =	strace $0x90000046  }
0xb2: {  	s29 =	simm.s32 $0xA;
	_ =	strace $0x80000048  }
0xb3: {  	_ =	swait.ge [sflag:s29], $0x1  }
0xb4: {  	[sflag:s29] =	ssyncadd.s32 $0xFFFFFFFF  }
0xb5: {  	_ =	strace $0x90000048  }
0xb6: {  	_ =	sfence  }
0xb7: {  	s30 =	sld [smem:$0x0];
	_ =	sdelay $0x2  }
0xb8: {  	s31 =	sshll.u32 s1, $0xD;
	s1 =	sshrl.u32 s1, $0x2  }
0xb9: {  	s3 =	sand.u32 $0x4000, s31;
	s1 =	sadd.s32 s1, s30  }
0xba: {  	s0 =	sor.u32 s3, s0;
	s1 =	sshll.u32 s1, $0x11  }
0xbb: {  	s0 =	sor.u32 s1, s0  }
0xbc: {  	s0 =	sadd.s32 $0x8F2B, s0  }
0xbd: {  	[sflag:s0] =	ssyncadd.remote.s32 $0x1  }
0xbe: {  	_ =	sfence.sel $0xFFFF  }
0xbf: {  	[dreg:$0x0] =	wrdreg $0xFFFFFFFF;
	(pc) =	sbr.abs _section_cstart, $3  }
0xc0: {  	[dreg:$0x1] =	wrdreg $0xFFFFFFFF  }
0xc1: {  	_ =	task.clear_ibuf [dreg:s7], $0x2FFFF;
	_ =	strace $0x9FFFFFFF  }
0xc2: {  	(tm) =	ssettm $0x7FFFFFFF  }
0xc3: {  	_ =	shalt  }
tec
execute0_lowered:
.L_overlay_start_1:
0x0: {  	(tag) =	ssettag $0x1  }
0x1: {  	s4 =	rddreg [dreg:$0x0]  }
0x2: {  	s2 =	rddreg [dreg:$0x1]  }
0x3: {  	s0 =	rddreg [dreg:$0x2]  }
0x4: {  	s3 =	srdreg.scid;
	s1 =	stileid.u32  }
0x5: {  	s9 =	simm.s32 $0xC80;
	s10 =	simm.s32 $0x4C80;
	s11 =	simm.s32 $0x4  }
0x6: {  	s12 =	simm.s32 $0x5;
	s13 =	simm.s32 $0x6;
	s14 =	simm.s32 $0x0  }
0x7: {  	s5 =	sand.u32 $0x1, s3;
	s6 =	sshll.u32 s1, $0x1;
	s7 =	smul.u32 $0xC8000, s1  }
0x8: {  	s3 =	simm.s32 $0x0;
	s6 =	sor.u32 s5, s6;
	s8 =	smul.u32 $0x64000, s5  }
0x9: {  	[smem:$0x7FF] =	sst s3;
	s5 =	ssub.s32 $0x2, s5;
	s6 =	smul.u32 $0x190, s6  }
0xa: {  	_ =	strace $0x80000047;
	s31 =	sshrl.u32 s5, $0x1;
	s7 =	sadd.s32 s8, s7  }
0xb: {  	s5 =	ssub.s32 s5, s31;
	s8 =	simm.s32 $0x80;
	s7 =	sshrl.u32 s7, $0x3  }
0xc: {  	s6 =	sadd.s32 s6, s4;
	s5 =	smax.u32 s5, $0x1;
	s7 =	sadd.s32 s7, s4  }
0xd: {  	s4 =	sadd.s32 $0x1600, s6;
	s6 =	sadd.s32 $0x4800, s7;
	s7 =	simm.s32 $0x7  }
.LBB2_1:
0xe: {  	[tilespmem:s3], [sflag:$0x7] =	stream.linear.gather [hbm4b:s4+s3], $0xC80, $0x38;
	[tilespmem:$0xCC80] =	vst v63  }
0xf: {  	s15 =	smul.u32 $0xAB, s3  }
0x10: {  	p1 =	por $0x0, $0x0;
	_ =	swait.ge [sflag:s7], $0xC80  }
0x11: {  	s16 =	simm.s32 $0x2;
	[sflag:s7] =	ssyncset.done $0x0;
	s15 =	sshrl.u32 s15, $0x9  }
0x12: {  	s16 =	smul.u32 @!p1 $0xAB, s16;
	[sflag:s7] =	ssyncadd.s32 $0xFFFFF380;
	s15 =	sand.u32 $0x7F, s15  }
0x13: {  	[tilespmem:s9], [sflag:$0x1] =	stream.indirect.gather [hbm4b:s2+s8], $0x80, s3, s8, $0xb8;
	[tilespmem:$0xCC80] =	vst v63  }
0x14: {  	s18 =	simm.s32 $0x100;
	s17 =	simm.s32 $0x1;
	s15 =	smul.u32 $0x3, s15  }
0x15: {  	[tilespmem:s10], [sflag:$0x2] =	stream.indirect.gather [hbm4b:s2+s8], $0x80, s8, s8, $0xb8;
	[tilespmem:$0xCC80] =	vst v63  }
0x16: {  	s19 =	simm.s32 $0x2;
	p0 =	por p1, p1;
	s15 =	ssub.s32 $0x0, s15  }
0x17: {  	p1 =	por @!p1 $0x1, $0x1;
	s20 =	sand.u32 $0xFF, s15;
	s15 =	sshrl.u32 @!p0 s16, $0x9  }
0x18: {  	s24 =	smul.u32 $0xAB, s17;
	s21 =	sadd.s32 $0x1, s20;
	s15 =	sand.u32 @!p0 $0x7F, s15  }
0x19: {  	p2 =	por p1, p0;
	s23 =	smul.u32 @!p0 $0x3, s15;
	_ =	swait.ge [sflag:s21], $0x4000  }
0x1a: {  	s22 =	sshll.u32 s20, $0xE;
	s20 =	sor.u32 $0x4, s20;
	[sflag:s21] =	ssyncset.done $0x0  }
0x1b: {  	s22 =	sor.u32 $0xC80, s22;
	s23 =	ssub.s32 @!p0 $0x2, s23;
	[sflag:s21] =	ssyncadd.s32 $0xFFFFC000  }
0x1c: {  	[hbm4b:s6+s3] =	stream.linear.scatter [tilespmem:s22], [sflag:s20], $0x4000, $0x38;
	[tilespmem:$0xCC80] =	vst v63  }
0x1d: {  	s16 =	sadd.s32 $0x800, s6;
	s15 =	simm.s32 $0x180;
	s23 =	sand.u32 @!p0 $0xFF, s23  }
0x1e: {  	s20 =	simm.s32 @!p0 $0x80;
	s21 =	sadd.s32 @!p2 $0x4, s23;
	s22 =	sshll.u32 @!p0 s23, $0xE  }
.LBB2_2:
0x1f: {  	p3 =	sgt.u32 s17, $0x16;
	_ =	swait.ge @!p2 [sflag:s21], $0x4000  }
0x20: {  	s23 =	sadd.s32 @!p0 $0x1, s23;
	s25 =	smov.u32 s19;
	s26 =	smov.u32 s16  }
0x21: {  	s28 =	sadd.s32 $0x2, s17;
	s24 =	sshrl.u32 s24, $0x9;
	[sflag:s21] =	ssyncset.done @!p2 $0x0  }
0x22: {  	s24 =	sand.u32 $0x7F, s24;
	[sflag:s21] =	ssyncadd.s32 @!p2 $0xFFFFC000;
	s21 =	sor.u32 @!p0 $0xC80, s22  }
0x23: {  	[tilespmem:s21], [sflag:s23] =	stream.indirect.gather @!p0 [hbm4b:s2+s20], $0x80, s18, s20, $0xb8;
	[tilespmem:$0xCC80] =	vst v63  }
0x24: {  	s19 =	sadd.s32 $0x1, s19;
	p2 =	seq.s32 @!p3 s17, $0x0;
	s20 =	smul.u32 $0x3, s24  }
0x25: {  	p1 =	sne.s32 s19, $0x19;
	s21 =	smul.u32 @!p3 $0xAB, s28;
	s18 =	smov.u32 s15  }
0x26: {  	p0 =	por p3, p3;
	s20 =	ssub.s32 s17, s20;
	s17 =	smov.u32 s25  }
0x27: {  	s16 =	sadd.s32 $0x800, s16;
	s21 =	sshrl.u32 @!p0 s21, $0x9;
	s20 =	sand.u32 $0xFF, s20  }
0x28: {  	s21 =	sand.u32 @!p0 $0x7F, s21;
	s22 =	sadd.s32 $0x1, s20;
	s23 =	sshll.u32 s20, $0xE  }
0x29: {  	s15 =	sadd.s32 $0x80, s15;
	s21 =	smul.u32 @!p0 $0x3, s21;
	s24 =	sor.u32 $0x4, s20  }
.Ltmp0:
0x2a: {  	s20 =	simm.s32 @!p0 $0x80;
	_ =	swait.ge [sflag:s22], $0x4000;
	(pc) =	sbr.rel @p1 .LBB2_2-.Ltmp0, $4  }
0x2b: {  	s25 =	sor.u32 $0xC80, s23;
	s21 =	ssub.s32 @!p0 s28, s21;
	[sflag:s22] =	ssyncset.done $0x0  }
0x2c: {  	p2 =	por p2, p0;
	s23 =	sand.u32 @!p0 $0xFF, s21;
	[sflag:s22] =	ssyncadd.s32 $0xFFFFC000  }
0x2d: {  	[hbm4b:s26+s3] =	stream.linear.scatter [tilespmem:s25], [sflag:s24], $0x4000, $0x38;
	[tilespmem:$0xCC80] =	vst v63  }
0x2e: {  	s21 =	sadd.s32 @!p2 $0x4, s23;
	s22 =	sshll.u32 @!p0 s23, $0xE;
	s24 =	smul.u32 $0xAB, s17  }
0x2f: {  	_ =	swait.ge @!p2 [sflag:s21], $0x4000  }
0x30: {  	s19 =	sadd.s32 @!p0 $0x1, s23;
	s28 =	sshrl.u32 s24, $0x9;
	[sflag:s21] =	ssyncset.done @!p2 $0x0  }
0x31: {  	s23 =	sand.u32 $0x7F, s28;
	[sflag:s21] =	ssyncadd.s32 @!p2 $0xFFFFC000;
	s21 =	sor.u32 @!p0 $0xC80, s22  }
0x32: {  	[tilespmem:s21], [sflag:s19] =	stream.indirect.gather @!p0 [hbm4b:s2+s20], $0x80, s18, s20, $0xb8;
	[tilespmem:$0xCC80] =	vst v63  }
0x33: {  	p1 =	sgt.u32 s17, $0x16;
	s18 =	sadd.s32 $0x2, s17;
	s29 =	smul.u32 $0x3, s23  }
0x34: {  	s20 =	smul.u32 @!p1 $0xAB, s18  }
0x35: {  	p0 =	por p1, p1  }
0x36: {  	s19 =	ssub.s32 s17, s29;
	s20 =	sshrl.u32 @!p0 s20, $0x9  }
0x37: {  	s19 =	sand.u32 $0xFF, s19;
	s20 =	sand.u32 @!p0 $0x7F, s20  }
0x38: {  	p1 =	seq.s32 @!p1 s17, $0x0;
	s30 =	sadd.s32 $0x1, s19;
	s20 =	smul.u32 @!p0 $0x3, s20  }
0x39: {  	p1 =	por p1, p0;
	s31 =	sshll.u32 s19, $0xE;
	_ =	swait.ge [sflag:s30], $0x4000  }
0x3a: {  	s19 =	sor.u32 $0x4, s19;
	[sflag:s30] =	ssyncset.done $0x0;
	s18 =	ssub.s32 @!p0 s18, s20  }
0x3b: {  	s21 =	sor.u32 $0xC80, s31;
	[sflag:s30] =	ssyncadd.s32 $0xFFFFC000;
	s17 =	sand.u32 @!p0 $0xFF, s18  }
0x3c: {  	[hbm4b:s16+s3] =	stream.linear.scatter [tilespmem:s21], [sflag:s19], $0x4000, $0x38;
	[tilespmem:$0xCC80] =	vst v63  }
0x3d: {  	s16 =	sadd.s32 @!p1 $0x4, s17  }
0x3e: {  	_ =	swait.ge @!p1 [sflag:s16], $0x4000  }
0x3f: {  	s18 =	simm.s32 @!p0 $0x80;
	s19 =	sshll.u32 @!p0 s17, $0xE;
	[sflag:s16] =	ssyncset.done @!p1 $0x0  }
0x40: {  	s17 =	sadd.s32 @!p0 $0x1, s17;
	[sflag:s16] =	ssyncadd.s32 @!p1 $0xFFFFC000;
	s16 =	sor.u32 @!p0 $0xC80, s19  }
0x41: {  	[tilespmem:s16], [sflag:s17] =	stream.indirect.gather @!p0 [hbm4b:s2+s18], $0x80, s15, s18, $0xb8;
	[tilespmem:$0xCC80] =	vst v63  }
0x42: {  	_ =	swait.ge [sflag:s11], $0x4000  }
0x43: {  	[sflag:s11] =	ssyncset.done $0x0  }
0x44: {  	s14 =	sadd.s32 $0x1, s14;
	[sflag:s11] =	ssyncadd.s32 $0xFFFFC000  }
0x45: {  	p0 =	sne.s32 s14, s5;
	_ =	swait.ge [sflag:s12], $0x4000  }
.Ltmp1:
0x46: {  	[sflag:s12] =	ssyncset.done $0x0;
	(pc) =	sbr.rel @p0 .LBB2_1-.Ltmp1, $4  }
0x47: {  	[sflag:s12] =	ssyncadd.s32 $0xFFFFC000  }
0x48: {  	_ =	swait.ge [sflag:s13], $0x4000  }
0x49: {  	[sflag:s13] =	ssyncset.done $0x0  }
0x4a: {  	[sflag:s13] =	ssyncadd.s32 $0xFFFFC000  }
0x4b: {  	_ =	sfence.sel $0x180000  }
0x4c: {  	[bflag:$0x0] =	sbarrier.arrive $0xFFFF  }
0x4d: {  	p0 =	sne.s32 s1, $0x0;
	_ =	strace $0x90000047  }
0x4e: {  	s0 =	sadd.s32 @!p0 $0x100000, s0;
	[bflag:$0x2] =	sbarrier.arrive $0xFFFF  }
0x4f: {  	[sflag:s0] =	ssyncadd.tile.s32 @!p0 $0x1;
	_ =	shalt  }
.Lfunc_end2:
_tile_overlayer_lowered:
.L_overlay_start_2:
0x50: {  	(tag) =	ssettag $0x2  }
0x51: {  	s0 =	rddreg [dreg:$0x0];
	s2 =	stileid.u32  }
0x52: {  	s1 =	rddreg [dreg:$0x1];
	p0 =	sne.s32 s2, $0x0  }
0x53: {  	s3 =	rddreg [dreg:$0x2];
	[bflag:$0x3] =	sbarrier.arrive $0xFFFF;
	s2 =	simm.s32 @!p0 $0x1C07  }
0x54: {  	[timem:s3], [sflag:s2] =	dma.local @!p0 [hbm:s0], s1  }
0x55: {  	s0 =	simm.s32 @!p0 $0x7  }
0x56: {  	_ =	swait.ge @!p0 [sflag:s0], s1  }
0x57: {  	s1 =	ssub.s32 @!p0 $0x0, s1;
	[sflag:s0] =	ssyncset.done @!p0 $0x0  }
0x58: {  	[sflag:s0] =	ssyncadd.s32 @!p0 s1  }
0x59: {  	[bflag:$0x3] =	sbarrier.arrive $0xFFFF  }
0x5a: {  	_ =	shalt  }

</sc_bundles>
